<compile_context>
chip_gen: v7x
topology: tpu7x:2x2x1
jax: 0.10.2.dev20260603
libtpu: 0.0.44.dev20260713+nightly
codegen_flags: <defaults>
</compile_context>

<pallas_src>
import functools

import jax
import jax.numpy as jnp
from jax import lax
from jax.experimental import pallas as pl
from jax.experimental.pallas import tpu as pltpu
from jax.experimental.pallas import tpu_sc as plsc

_N_TOKENS = 1000000
_D_PROJ = 128
_CUTS = (0, 20000, 100000, 500000, 1000000)
_SCALE = float(_D_PROJ) ** 0.5
_RB = 2000

_NC, _NS = 2, 16
_NW = _NC * _NS
_CH = 256
_IDXW = 128


_RB_TAB = 4000
_NSLOT = 4


def _tier_table(carry, emb, projT, row_start):
    n, d = emb.shape
    ngrid = n // _RB_TAB
    off = row_start // _RB_TAB

    def body(*refs):
        emb_ref, pT_ref, out_hbm = refs[-11:-8]
        scrs = refs[-8:-4]
        sems = refs[-4:]
        g = pl.program_id(0)

        def store(s):
            return pltpu.make_async_copy(
                scrs[s], out_hbm.at[pl.ds((off + g) * _RB_TAB, _RB_TAB)],
                sems[s])

        for s in range(min(_NSLOT, ngrid)):
            @pl.when(lax.rem(g, _NSLOT) == s)
            def _(s=s):
                @pl.when(g >= _NSLOT)
                def _():
                    store(s).wait()
                scrs[s][...] = (
                    jnp.dot(emb_ref[...], pT_ref[...],
                            preferred_element_type=jnp.float32)
                    * _SCALE
                )
                pltpu.async_copy(
                    scrs[s],
                    out_hbm.at[pl.ds((off + g) * _RB_TAB, _RB_TAB)],
                    sems[s])

        @pl.when(g == ngrid - 1)
        def _():
            for s in range(min(_NSLOT, ngrid)):
                store(s).wait()

    in_specs = [
        pl.BlockSpec((_RB_TAB, d), lambda i: (i, 0)),
        pl.BlockSpec((d, _D_PROJ), lambda i: (0, 0)),
    ]
    args = [emb, projT]
    io_alias = {}
    if carry is not None:
        in_specs = [pl.BlockSpec(memory_space=pltpu.HBM)] + in_specs
        args = [carry] + args
        io_alias = {0: 0}
    return pl.pallas_call(
        body,
        grid=(ngrid,),
        in_specs=in_specs,
        out_specs=pl.BlockSpec(memory_space=pltpu.HBM),
        out_shape=jax.ShapeDtypeStruct((_N_TOKENS, _D_PROJ), jnp.float32),
        scratch_shapes=[
            pltpu.VMEM((_RB_TAB, _D_PROJ), jnp.float32),
            pltpu.VMEM((_RB_TAB, _D_PROJ), jnp.float32),
            pltpu.VMEM((_RB_TAB, _D_PROJ), jnp.float32),
            pltpu.VMEM((_RB_TAB, _D_PROJ), jnp.float32),
            pltpu.SemaphoreType.DMA,
            pltpu.SemaphoreType.DMA,
            pltpu.SemaphoreType.DMA,
            pltpu.SemaphoreType.DMA,
        ],
        input_output_aliases=io_alias,
    )(*args)


def _make_gather(n_tok):
    b_per_w = n_tok // _NW
    n_iters = b_per_w // _CH
    k = _CH // _IDXW
    assert n_iters % 2 == 0 and n_iters >= 6

    mesh = plsc.VectorSubcoreMesh(core_axis_name="c", subcore_axis_name="s")

    @functools.partial(
        pl.kernel,
        out_type=jax.ShapeDtypeStruct((n_tok // _IDXW, _IDXW, _D_PROJ), jnp.float32),
        mesh=mesh,
        scratch_types=[
            pltpu.VMEM((2, k, _IDXW), jnp.int32),
            pltpu.VMEM((2, k, _IDXW, _D_PROJ), jnp.float32),
            pltpu.SemaphoreType.DMA,
            pltpu.SemaphoreType.DMA,
            pltpu.SemaphoreType.DMA,
            pltpu.SemaphoreType.DMA,
            pltpu.SemaphoreType.DMA,
            pltpu.SemaphoreType.DMA,
        ],
    )
    def gather(table_hbm, idxm_hbm, out_hbm, idx_v, rows_v,
               sem_i0, sem_i1, sem_g0, sem_g1, sem_o0, sem_o1):
        wid = lax.axis_index("s") * _NC + lax.axis_index("c")
        irow0 = wid * (b_per_w // _IDXW)
        sem_i = (sem_i0, sem_i1)
        sem_g = (sem_g0, sem_g1)
        sem_o = (sem_o0, sem_o1)

        def idx_start(i, s):
            pltpu.async_copy(
                idxm_hbm.at[pl.ds(irow0 + i * k, k)], idx_v.at[s], sem_i[s])

        def idx_wait(s):
            pltpu.make_async_copy(
                idxm_hbm.at[pl.ds(irow0, k)], idx_v.at[s], sem_i[s]).wait()

        def fire(s):
            for j in range(k):
                pltpu.async_copy(
                    table_hbm.at[idx_v.at[s].at[j]],
                    rows_v.at[s].at[j],
                    sem_g[s],
                )

        def drain(s):
            for j in range(k):
                pltpu.make_async_copy(
                    table_hbm.at[idx_v.at[s].at[j]],
                    rows_v.at[s].at[j],
                    sem_g[s],
                ).wait()

        def out_start(i, s):
            pltpu.async_copy(
                rows_v.at[s], out_hbm.at[pl.ds(irow0 + i * k, k)], sem_o[s])

        def out_wait(s):
            pltpu.make_async_copy(
                rows_v.at[s], out_hbm.at[pl.ds(irow0, k)], sem_o[s]).wait()

        idx_start(0, 0)
        idx_start(1, 1)
        idx_wait(0)
        fire(0)
        idx_wait(1)
        fire(1)
        drain(0)
        idx_start(2, 0)
        out_start(0, 0)

        def pair(p, c):
            for s in (0, 1):
                i = 2 * p + s
                idx_wait(s)
                out_wait(s)
                fire(s)
                drain(1 - s)
                idx_start(i + 1, 1 - s)
                out_start(i - 1, 1 - s)
            return c

        lax.fori_loop(1, n_iters // 2 - 1, pair, 0)

        i = n_iters - 2
        idx_wait(0)
        out_wait(0)
        fire(0)
        drain(1)
        idx_start(i + 1, 1)
        out_start(i - 1, 1)
        idx_wait(1)
        out_wait(1)
        fire(1)
        drain(0)
        out_start(i, 0)
        drain(1)
        out_start(i + 1, 1)
        out_wait(0)
        out_wait(1)

    return gather


def kernel(input, emb0, emb1, emb2, emb3, proj0, proj1, proj2, proj3):
    table = None
    for e, p, start in (
        (emb0, proj0, _CUTS[0]),
        (emb1, proj1, _CUTS[1]),
        (emb2, proj2, _CUTS[2]),
        (emb3, proj3, _CUTS[3]),
    ):
        table = _tier_table(table, e, p.T, start)
    flat = input.reshape(-1).astype(jnp.int32)
    idxm = flat.reshape(-1, _IDXW)
    out = _make_gather(flat.shape[0])(table, idxm)
    return out.reshape(input.shape + (_D_PROJ,))

# --- scband reference (transcript-rebuilt; emitter-appended) ---
"""Pipeline reference for scband-adaptive-embedding-18270790877730 (READ-ONLY COPY).

The authoritative reference and input builder live on the scoring server;
editing this copy changes nothing except your own understanding.
"""

import jax, jax.numpy as jnp
import numpy as np

N_TOKENS = 1000000
D_EMBED = 128
D_PROJ = 128
CUTOFFS = [20000, 100000, 500000]
DIV_VAL = 4
CUTOFF_ENDS = [0] + CUTOFFS + [N_TOKENS]
EMB_SCALE = D_PROJ ** 0.5
N_BUCKETS = len(CUTOFF_ENDS) - 1


def setup_inputs(seed: int = 0) -> dict:
    key = jax.random.key(seed)
    ks = jax.random.split(key, 1 + 2 * N_BUCKETS)
    inp = {}
    inp["input"] = jax.random.randint(ks[0], (16384, 200), 0, N_TOKENS)
    for i in range(N_BUCKETS):
        l, r = CUTOFF_ENDS[i], CUTOFF_ENDS[i + 1]
        d_emb_i = D_EMBED // (DIV_VAL ** i)
        inp[f"emb{i}"] = jax.random.normal(ks[1 + i], (r - l, d_emb_i), dtype=jnp.float32) * 0.02
        inp[f"proj{i}"] = jax.random.normal(ks[1 + N_BUCKETS + i], (D_PROJ, d_emb_i), dtype=jnp.float32) * 0.02
    return inp


def reference(input, emb0, emb1, emb2, emb3, proj0, proj1, proj2, proj3):
    tables = [emb0, emb1, emb2, emb3]
    projs = [proj0, proj1, proj2, proj3]
    flat = input.reshape(-1)
    out = jnp.zeros((flat.shape[0], D_PROJ), dtype=jnp.float32)
    for i in range(N_BUCKETS):
        l, r = CUTOFF_ENDS[i], CUTOFF_ENDS[i + 1]
        mask = (flat >= l) & (flat < r)
        # clamp indices so gathers are always in-range; masked out afterwards
        idx = jnp.clip(flat - l, 0, r - l - 1)
        emb_i = jnp.take(tables[i], idx, axis=0)           # gather: [T, d_emb_i]
        proj_i = emb_i @ projs[i].T                         # F.linear: [T, d_proj]
        out = jnp.where(mask[:, None], proj_i, out)         # index_copy_ equivalent
    out = out * EMB_SCALE
    return out.reshape(input.shape + (D_PROJ,))

if __name__ == "__main__":
    import jax
    _d = setup_inputs()
    print(jax.jit(kernel)(*tuple(_d.values())))

</pallas_src>

<mosaic_0001>
#map = affine_map<(d0, d1) -> (0, 0)>
#map1 = affine_map<(d0, d1) -> (0, 0, 0)>
module attributes {stable_mosaic.version = 14 : i64} {
  func.func @gather(%arg0: i32, %arg1: i32, %arg2: memref<1000000x128xf32, #tpu.memory_space<hbm>>, %arg3: memref<25600x128xi32, #tpu.memory_space<hbm>>, %arg4: memref<25600x128x128xf32, #tpu.memory_space<hbm>>, %arg5: memref<2x2x128xi32, #tpu.memory_space<vmem>>, %arg6: memref<2x2x128x128xf32, #tpu.memory_space<vmem>>, %arg7: memref<!tpu.dma_semaphore, #tpu.memory_space<semaphore_mem>>, %arg8: memref<!tpu.dma_semaphore, #tpu.memory_space<semaphore_mem>>, %arg9: memref<!tpu.dma_semaphore, #tpu.memory_space<semaphore_mem>>, %arg10: memref<!tpu.dma_semaphore, #tpu.memory_space<semaphore_mem>>, %arg11: memref<!tpu.dma_semaphore, #tpu.memory_space<semaphore_mem>>, %arg12: memref<!tpu.dma_semaphore, #tpu.memory_space<semaphore_mem>>) attributes {dimension_semantics = [#tpu.dimension_semantics<core_parallel>, #tpu.dimension_semantics<subcore_parallel>], iteration_bounds = array<i64: 2, 16>, scalar_prefetch = 0 : i64, scratch_operands = 8 : i64, tpu.core_type = #tpu.core_type<sc_vector_subcore>, window_params = [{transform_indices = #map}, {transform_indices = #map}, {transform_indices = #map1}]} {
    %mul3A = arith.constant 2 : i32
    %mul3A_0 = arith.muli %arg1, %mul3A : i32
    %add3A = arith.addi %mul3A_0, %arg0 : i32
    %mul3A_1 = arith.constant 800 : i32
    %mul3A_2 = arith.muli %add3A, %mul3A_1 : i32
    %add3A_3 = arith.constant 0 : i32
    %add3A_4 = arith.addi %mul3A_2, %add3A_3 : i32
    %dma_start3A = arith.constant 0 : i32
    %dma_start3A_5 = arith.constant 0 : i32
    %dma_start3A_6 = arith.constant 0 : i32
    %dma_start3A_7 = tpu.memref_slice %arg5[%dma_start3A, %dma_start3A_5, %dma_start3A_6] : memref<2x2x128xi32, #tpu.memory_space<vmem>> -> memref<1x2x128xi32, #tpu.memory_space<vmem>>
    %dma_start3A_8 = tpu.memref_squeeze %dma_start3A_7 : memref<1x2x128xi32, #tpu.memory_space<vmem>> -> memref<2x128xi32, #tpu.memory_space<vmem>>
    %dma_start3A_9 = arith.constant 0 : i32
    %dma_start3A_10 = tpu.memref_slice %arg3[%add3A_4, %dma_start3A_9] : memref<25600x128xi32, #tpu.memory_space<hbm>> -> memref<2x128xi32, #tpu.memory_space<hbm>>
    %dma_start3A_11 = arith.constant 0 : i32
    %dma_start3A_12 = arith.constant 0 : i32
    %dma_start3A_13 = tpu.memref_slice %arg5[%dma_start3A, %dma_start3A_11, %dma_start3A_12] : memref<2x2x128xi32, #tpu.memory_space<vmem>> -> memref<1x2x128xi32, #tpu.memory_space<vmem>>
    %dma_start3A_14 = tpu.memref_squeeze %dma_start3A_13 : memref<1x2x128xi32, #tpu.memory_space<vmem>> -> memref<2x128xi32, #tpu.memory_space<vmem>>
    %dma_start3A_15 = arith.constant 0 : i32
    %dma_start3A_16 = tpu.memref_slice %arg3[%add3A_4, %dma_start3A_15] : memref<25600x128xi32, #tpu.memory_space<hbm>> -> memref<2x128xi32, #tpu.memory_space<hbm>>
    tpu.enqueue_dma source(%dma_start3A_16 : memref<2x128xi32, #tpu.memory_space<hbm>>) target(%dma_start3A_14 : memref<2x128xi32, #tpu.memory_space<vmem>>) target_semaphore(%arg7 : memref<!tpu.dma_semaphore, #tpu.memory_space<semaphore_mem>>)
    %add3A_17 = arith.constant 2 : i32
    %add3A_18 = arith.addi %mul3A_2, %add3A_17 : i32
    %dma_start3A_19 = arith.constant 1 : i32
    %dma_start3A_20 = arith.constant 0 : i32
    %dma_start3A_21 = arith.constant 0 : i32
    %dma_start3A_22 = tpu.memref_slice %arg5[%dma_start3A_19, %dma_start3A_20, %dma_start3A_21] : memref<2x2x128xi32, #tpu.memory_space<vmem>> -> memref<1x2x128xi32, #tpu.memory_space<vmem>>
    %dma_start3A_23 = tpu.memref_squeeze %dma_start3A_22 : memref<1x2x128xi32, #tpu.memory_space<vmem>> -> memref<2x128xi32, #tpu.memory_space<vmem>>
    %dma_start3A_24 = arith.constant 0 : i32
    %dma_start3A_25 = tpu.memref_slice %arg3[%add3A_18, %dma_start3A_24] : memref<25600x128xi32, #tpu.memory_space<hbm>> -> memref<2x128xi32, #tpu.memory_space<hbm>>
    %dma_start3A_26 = arith.constant 0 : i32
    %dma_start3A_27 = arith.constant 0 : i32
    %dma_start3A_28 = tpu.memref_slice %arg5[%dma_start3A_19, %dma_start3A_26, %dma_start3A_27] : memref<2x2x128xi32, #tpu.memory_space<vmem>> -> memref<1x2x128xi32, #tpu.memory_space<vmem>>
    %dma_start3A_29 = tpu.memref_squeeze %dma_start3A_28 : memref<1x2x128xi32, #tpu.memory_space<vmem>> -> memref<2x128xi32, #tpu.memory_space<vmem>>
    %dma_start3A_30 = arith.constant 0 : i32
    %dma_start3A_31 = tpu.memref_slice %arg3[%add3A_18, %dma_start3A_30] : memref<25600x128xi32, #tpu.memory_space<hbm>> -> memref<2x128xi32, #tpu.memory_space<hbm>>
    tpu.enqueue_dma source(%dma_start3A_31 : memref<2x128xi32, #tpu.memory_space<hbm>>) target(%dma_start3A_29 : memref<2x128xi32, #tpu.memory_space<vmem>>) target_semaphore(%arg8 : memref<!tpu.dma_semaphore, #tpu.memory_space<semaphore_mem>>)
    %dma_wait3A = arith.constant 0 : i32
    %dma_wait3A_32 = arith.constant 0 : i32
    %dma_wait3A_33 = arith.constant 0 : i32
    %dma_wait3A_34 = tpu.memref_slice %arg5[%dma_wait3A, %dma_wait3A_32, %dma_wait3A_33] : memref<2x2x128xi32, #tpu.memory_space<vmem>> -> memref<1x2x128xi32, #tpu.memory_space<vmem>>
    %dma_wait3A_35 = tpu.memref_squeeze %dma_wait3A_34 : memref<1x2x128xi32, #tpu.memory_space<vmem>> -> memref<2x128xi32, #tpu.memory_space<vmem>>
    %dma_wait3A_36 = arith.constant 0 : i32
    %dma_wait3A_37 = tpu.memref_slice %arg3[%mul3A_2, %dma_wait3A_36] : memref<25600x128xi32, #tpu.memory_space<hbm>> -> memref<2x128xi32, #tpu.memory_space<hbm>>
    %dma_wait3A_38 = arith.constant 0 : i32
    %dma_wait3A_39 = arith.constant 0 : i32
    %dma_wait3A_40 = tpu.memref_slice %arg5[%dma_wait3A, %dma_wait3A_38, %dma_wait3A_39] : memref<2x2x128xi32, #tpu.memory_space<vmem>> -> memref<1x2x128xi32, #tpu.memory_space<vmem>>
    %dma_wait3A_41 = tpu.memref_squeeze %dma_wait3A_40 : memref<1x2x128xi32, #tpu.memory_space<vmem>> -> memref<2x128xi32, #tpu.memory_space<vmem>>
    %dma_wait3A_42 = arith.constant 0 : i32
    %dma_wait3A_43 = tpu.memref_slice %arg3[%mul3A_2, %dma_wait3A_42] : memref<25600x128xi32, #tpu.memory_space<hbm>> -> memref<2x128xi32, #tpu.memory_space<hbm>>
    tpu.wait_dma2 semaphore(%arg7 : memref<!tpu.dma_semaphore, #tpu.memory_space<semaphore_mem>>) src(%dma_wait3A_43 : memref<2x128xi32, #tpu.memory_space<hbm>>) dst(%dma_wait3A_41 : memref<2x128xi32, #tpu.memory_space<vmem>>)
    %dma_start3A_44 = arith.constant 0 : i32
    %dma_start3A_45 = arith.constant 0 : i32
    %dma_start3A_46 = arith.constant 0 : i32
    %dma_start3A_47 = arith.constant 0 : i32
    %dma_start3A_48 = arith.constant 0 : i32
    %dma_start3A_49 = arith.constant 0 : i32
    %dma_start3A_50 = arith.constant 0 : i32
    %dma_start3A_51 = tpu.memref_slice %arg6[%dma_start3A_46, %dma_start3A_48, %dma_start3A_49, %dma_start3A_50] : memref<2x2x128x128xf32, #tpu.memory_space<vmem>> -> memref<1x2x128x128xf32, #tpu.memory_space<vmem>>
    %dma_start3A_52 = tpu.memref_squeeze %dma_start3A_51 : memref<1x2x128x128xf32, #tpu.memory_space<vmem>> -> memref<2x128x128xf32, #tpu.memory_space<vmem>>
    %dma_start3A_53 = arith.constant 0 : i32
    %dma_start3A_54 = arith.constant 0 : i32
    %dma_start3A_55 = tpu.memref_slice %dma_start3A_52[%dma_start3A_47, %dma_start3A_53, %dma_start3A_54] : memref<2x128x128xf32, #tpu.memory_space<vmem>> -> memref<1x128x128xf32, #tpu.memory_space<vmem>>
    %dma_start3A_56 = tpu.memref_squeeze %dma_start3A_55 : memref<1x128x128xf32, #tpu.memory_space<vmem>> -> memref<128x128xf32, #tpu.memory_space<vmem>>
    %dma_start3A_57 = arith.constant 0 : i32
    %dma_start3A_58 = arith.constant 0 : i32
    %dma_start3A_59 = tpu.memref_slice %arg5[%dma_start3A_44, %dma_start3A_57, %dma_start3A_58] : memref<2x2x128xi32, #tpu.memory_space<vmem>> -> memref<1x2x128xi32, #tpu.memory_space<vmem>>
    %dma_start3A_60 = tpu.memref_squeeze %dma_start3A_59 : memref<1x2x128xi32, #tpu.memory_space<vmem>> -> memref<2x128xi32, #tpu.memory_space<vmem>>
    %dma_start3A_61 = arith.constant 0 : i32
    %dma_start3A_62 = tpu.memref_slice %dma_start3A_60[%dma_start3A_45, %dma_start3A_61] : memref<2x128xi32, #tpu.memory_space<vmem>> -> memref<1x128xi32, #tpu.memory_space<vmem>>
    %dma_start3A_63 = tpu.memref_squeeze %dma_start3A_62 : memref<1x128xi32, #tpu.memory_space<vmem>> -> memref<128xi32, #tpu.memory_space<vmem>>
    %dma_start3A_64 = arith.constant 0 : i32
    %dma_start3A_65 = arith.constant 0 : i32
    %dma_start3A_66 = tpu.memref_slice %arg2[%dma_start3A_64, %dma_start3A_65] : memref<1000000x128xf32, #tpu.memory_space<hbm>> -> memref<1000000x128xf32, #tpu.memory_space<hbm>>
    tpu.enqueue_indirect_dma source(%dma_start3A_66 : memref<1000000x128xf32, #tpu.memory_space<hbm>>) target(%dma_start3A_56 : memref<128x128xf32, #tpu.memory_space<vmem>>) offsets(%dma_start3A_63 : memref<128xi32, #tpu.memory_space<vmem>>) semaphore(%arg9 : memref<!tpu.dma_semaphore, #tpu.memory_space<semaphore_mem>>)
    %dma_start3A_67 = arith.constant 0 : i32
    %dma_start3A_68 = arith.constant 1 : i32
    %dma_start3A_69 = arith.constant 0 : i32
    %dma_start3A_70 = arith.constant 1 : i32
    %dma_start3A_71 = arith.constant 0 : i32
    %dma_start3A_72 = arith.constant 0 : i32
    %dma_start3A_73 = arith.constant 0 : i32
    %dma_start3A_74 = tpu.memref_slice %arg6[%dma_start3A_69, %dma_start3A_71, %dma_start3A_72, %dma_start3A_73] : memref<2x2x128x128xf32, #tpu.memory_space<vmem>> -> memref<1x2x128x128xf32, #tpu.memory_space<vmem>>
    %dma_start3A_75 = tpu.memref_squeeze %dma_start3A_74 : memref<1x2x128x128xf32, #tpu.memory_space<vmem>> -> memref<2x128x128xf32, #tpu.memory_space<vmem>>
    %dma_start3A_76 = arith.constant 0 : i32
    %dma_start3A_77 = arith.constant 0 : i32
    %dma_start3A_78 = tpu.memref_slice %dma_start3A_75[%dma_start3A_70, %dma_start3A_76, %dma_start3A_77] : memref<2x128x128xf32, #tpu.memory_space<vmem>> -> memref<1x128x128xf32, #tpu.memory_space<vmem>>
    %dma_start3A_79 = tpu.memref_squeeze %dma_start3A_78 : memref<1x128x128xf32, #tpu.memory_space<vmem>> -> memref<128x128xf32, #tpu.memory_space<vmem>>
    %dma_start3A_80 = arith.constant 0 : i32
    %dma_start3A_81 = arith.constant 0 : i32
    %dma_start3A_82 = tpu.memref_slice %arg5[%dma_start3A_67, %dma_start3A_80, %dma_start3A_81] : memref<2x2x128xi32, #tpu.memory_space<vmem>> -> memref<1x2x128xi32, #tpu.memory_space<vmem>>
    %dma_start3A_83 = tpu.memref_squeeze %dma_start3A_82 : memref<1x2x128xi32, #tpu.memory_space<vmem>> -> memref<2x128xi32, #tpu.memory_space<vmem>>
    %dma_start3A_84 = arith.constant 0 : i32
    %dma_start3A_85 = tpu.memref_slice %dma_start3A_83[%dma_start3A_68, %dma_start3A_84] : memref<2x128xi32, #tpu.memory_space<vmem>> -> memref<1x128xi32, #tpu.memory_space<vmem>>
    %dma_start3A_86 = tpu.memref_squeeze %dma_start3A_85 : memref<1x128xi32, #tpu.memory_space<vmem>> -> memref<128xi32, #tpu.memory_space<vmem>>
    %dma_start3A_87 = arith.constant 0 : i32
    %dma_start3A_88 = arith.constant 0 : i32
    %dma_start3A_89 = tpu.memref_slice %arg2[%dma_start3A_87, %dma_start3A_88] : memref<1000000x128xf32, #tpu.memory_space<hbm>> -> memref<1000000x128xf32, #tpu.memory_space<hbm>>
    tpu.enqueue_indirect_dma source(%dma_start3A_89 : memref<1000000x128xf32, #tpu.memory_space<hbm>>) target(%dma_start3A_79 : memref<128x128xf32, #tpu.memory_space<vmem>>) offsets(%dma_start3A_86 : memref<128xi32, #tpu.memory_space<vmem>>) semaphore(%arg9 : memref<!tpu.dma_semaphore, #tpu.memory_space<semaphore_mem>>)
    %dma_wait3A_90 = arith.constant 1 : i32
    %dma_wait3A_91 = arith.constant 0 : i32
    %dma_wait3A_92 = arith.constant 0 : i32
    %dma_wait3A_93 = tpu.memref_slice %arg5[%dma_wait3A_90, %dma_wait3A_91, %dma_wait3A_92] : memref<2x2x128xi32, #tpu.memory_space<vmem>> -> memref<1x2x128xi32, #tpu.memory_space<vmem>>
    %dma_wait3A_94 = tpu.memref_squeeze %dma_wait3A_93 : memref<1x2x128xi32, #tpu.memory_space<vmem>> -> memref<2x128xi32, #tpu.memory_space<vmem>>
    %dma_wait3A_95 = arith.constant 0 : i32
    %dma_wait3A_96 = tpu.memref_slice %arg3[%mul3A_2, %dma_wait3A_95] : memref<25600x128xi32, #tpu.memory_space<hbm>> -> memref<2x128xi32, #tpu.memory_space<hbm>>
    %dma_wait3A_97 = arith.constant 0 : i32
    %dma_wait3A_98 = arith.constant 0 : i32
    %dma_wait3A_99 = tpu.memref_slice %arg5[%dma_wait3A_90, %dma_wait3A_97, %dma_wait3A_98] : memref<2x2x128xi32, #tpu.memory_space<vmem>> -> memref<1x2x128xi32, #tpu.memory_space<vmem>>
    %dma_wait3A_100 = tpu.memref_squeeze %dma_wait3A_99 : memref<1x2x128xi32, #tpu.memory_space<vmem>> -> memref<2x128xi32, #tpu.memory_space<vmem>>
    %dma_wait3A_101 = arith.constant 0 : i32
    %dma_wait3A_102 = tpu.memref_slice %arg3[%mul3A_2, %dma_wait3A_101] : memref<25600x128xi32, #tpu.memory_space<hbm>> -> memref<2x128xi32, #tpu.memory_space<hbm>>
    tpu.wait_dma2 semaphore(%arg8 : memref<!tpu.dma_semaphore, #tpu.memory_space<semaphore_mem>>) src(%dma_wait3A_102 : memref<2x128xi32, #tpu.memory_space<hbm>>) dst(%dma_wait3A_100 : memref<2x128xi32, #tpu.memory_space<vmem>>)
    %dma_start3A_103 = arith.constant 1 : i32
    %dma_start3A_104 = arith.constant 0 : i32
    %dma_start3A_105 = arith.constant 1 : i32
    %dma_start3A_106 = arith.constant 0 : i32
    %dma_start3A_107 = arith.constant 0 : i32
    %dma_start3A_108 = arith.constant 0 : i32
    %dma_start3A_109 = arith.constant 0 : i32
    %dma_start3A_110 = tpu.memref_slice %arg6[%dma_start3A_105, %dma_start3A_107, %dma_start3A_108, %dma_start3A_109] : memref<2x2x128x128xf32, #tpu.memory_space<vmem>> -> memref<1x2x128x128xf32, #tpu.memory_space<vmem>>
    %dma_start3A_111 = tpu.memref_squeeze %dma_start3A_110 : memref<1x2x128x128xf32, #tpu.memory_space<vmem>> -> memref<2x128x128xf32, #tpu.memory_space<vmem>>
    %dma_start3A_112 = arith.constant 0 : i32
    %dma_start3A_113 = arith.constant 0 : i32
    %dma_start3A_114 = tpu.memref_slice %dma_start3A_111[%dma_start3A_106, %dma_start3A_112, %dma_start3A_113] : memref<2x128x128xf32, #tpu.memory_space<vmem>> -> memref<1x128x128xf32, #tpu.memory_space<vmem>>
    %dma_start3A_115 = tpu.memref_squeeze %dma_start3A_114 : memref<1x128x128xf32, #tpu.memory_space<vmem>> -> memref<128x128xf32, #tpu.memory_space<vmem>>
    %dma_start3A_116 = arith.constant 0 : i32
    %dma_start3A_117 = arith.constant 0 : i32
    %dma_start3A_118 = tpu.memref_slice %arg5[%dma_start3A_103, %dma_start3A_116, %dma_start3A_117] : memref<2x2x128xi32, #tpu.memory_space<vmem>> -> memref<1x2x128xi32, #tpu.memory_space<vmem>>
    %dma_start3A_119 = tpu.memref_squeeze %dma_start3A_118 : memref<1x2x128xi32, #tpu.memory_space<vmem>> -> memref<2x128xi32, #tpu.memory_space<vmem>>
    %dma_start3A_120 = arith.constant 0 : i32
    %dma_start3A_121 = tpu.memref_slice %dma_start3A_119[%dma_start3A_104, %dma_start3A_120] : memref<2x128xi32, #tpu.memory_space<vmem>> -> memref<1x128xi32, #tpu.memory_space<vmem>>
    %dma_start3A_122 = tpu.memref_squeeze %dma_start3A_121 : memref<1x128xi32, #tpu.memory_space<vmem>> -> memref<128xi32, #tpu.memory_space<vmem>>
    %dma_start3A_123 = arith.constant 0 : i32
    %dma_start3A_124 = arith.constant 0 : i32
    %dma_start3A_125 = tpu.memref_slice %arg2[%dma_start3A_123, %dma_start3A_124] : memref<1000000x128xf32, #tpu.memory_space<hbm>> -> memref<1000000x128xf32, #tpu.memory_space<hbm>>
    tpu.enqueue_indirect_dma source(%dma_start3A_125 : memref<1000000x128xf32, #tpu.memory_space<hbm>>) target(%dma_start3A_115 : memref<128x128xf32, #tpu.memory_space<vmem>>) offsets(%dma_start3A_122 : memref<128xi32, #tpu.memory_space<vmem>>) semaphore(%arg10 : memref<!tpu.dma_semaphore, #tpu.memory_space<semaphore_mem>>)
    %dma_start3A_126 = arith.constant 1 : i32
    %dma_start3A_127 = arith.constant 1 : i32
    %dma_start3A_128 = arith.constant 1 : i32
    %dma_start3A_129 = arith.constant 1 : i32
    %dma_start3A_130 = arith.constant 0 : i32
    %dma_start3A_131 = arith.constant 0 : i32
    %dma_start3A_132 = arith.constant 0 : i32
    %dma_start3A_133 = tpu.memref_slice %arg6[%dma_start3A_128, %dma_start3A_130, %dma_start3A_131, %dma_start3A_132] : memref<2x2x128x128xf32, #tpu.memory_space<vmem>> -> memref<1x2x128x128xf32, #tpu.memory_space<vmem>>
    %dma_start3A_134 = tpu.memref_squeeze %dma_start3A_133 : memref<1x2x128x128xf32, #tpu.memory_space<vmem>> -> memref<2x128x128xf32, #tpu.memory_space<vmem>>
    %dma_start3A_135 = arith.constant 0 : i32
    %dma_start3A_136 = arith.constant 0 : i32
    %dma_start3A_137 = tpu.memref_slice %dma_start3A_134[%dma_start3A_129, %dma_start3A_135, %dma_start3A_136] : memref<2x128x128xf32, #tpu.memory_space<vmem>> -> memref<1x128x128xf32, #tpu.memory_space<vmem>>
    %dma_start3A_138 = tpu.memref_squeeze %dma_start3A_137 : memref<1x128x128xf32, #tpu.memory_space<vmem>> -> memref<128x128xf32, #tpu.memory_space<vmem>>
    %dma_start3A_139 = arith.constant 0 : i32
    %dma_start3A_140 = arith.constant 0 : i32
    %dma_start3A_141 = tpu.memref_slice %arg5[%dma_start3A_126, %dma_start3A_139, %dma_start3A_140] : memref<2x2x128xi32, #tpu.memory_space<vmem>> -> memref<1x2x128xi32, #tpu.memory_space<vmem>>
    %dma_start3A_142 = tpu.memref_squeeze %dma_start3A_141 : memref<1x2x128xi32, #tpu.memory_space<vmem>> -> memref<2x128xi32, #tpu.memory_space<vmem>>
    %dma_start3A_143 = arith.constant 0 : i32
    %dma_start3A_144 = tpu.memref_slice %dma_start3A_142[%dma_start3A_127, %dma_start3A_143] : memref<2x128xi32, #tpu.memory_space<vmem>> -> memref<1x128xi32, #tpu.memory_space<vmem>>
    %dma_start3A_145 = tpu.memref_squeeze %dma_start3A_144 : memref<1x128xi32, #tpu.memory_space<vmem>> -> memref<128xi32, #tpu.memory_space<vmem>>
    %dma_start3A_146 = arith.constant 0 : i32
    %dma_start3A_147 = arith.constant 0 : i32
    %dma_start3A_148 = tpu.memref_slice %arg2[%dma_start3A_146, %dma_start3A_147] : memref<1000000x128xf32, #tpu.memory_space<hbm>> -> memref<1000000x128xf32, #tpu.memory_space<hbm>>
    tpu.enqueue_indirect_dma source(%dma_start3A_148 : memref<1000000x128xf32, #tpu.memory_space<hbm>>) target(%dma_start3A_138 : memref<128x128xf32, #tpu.memory_space<vmem>>) offsets(%dma_start3A_145 : memref<128xi32, #tpu.memory_space<vmem>>) semaphore(%arg10 : memref<!tpu.dma_semaphore, #tpu.memory_space<semaphore_mem>>)
    %dma_wait3A_149 = arith.constant 0 : i32
    %dma_wait3A_150 = arith.constant 0 : i32
    %dma_wait3A_151 = arith.constant 0 : i32
    %dma_wait3A_152 = arith.constant 0 : i32
    %dma_wait3A_153 = arith.constant 0 : i32
    %dma_wait3A_154 = arith.constant 0 : i32
    %dma_wait3A_155 = arith.constant 0 : i32
    %dma_wait3A_156 = tpu.memref_slice %arg6[%dma_wait3A_151, %dma_wait3A_153, %dma_wait3A_154, %dma_wait3A_155] : memref<2x2x128x128xf32, #tpu.memory_space<vmem>> -> memref<1x2x128x128xf32, #tpu.memory_space<vmem>>
    %dma_wait3A_157 = tpu.memref_squeeze %dma_wait3A_156 : memref<1x2x128x128xf32, #tpu.memory_space<vmem>> -> memref<2x128x128xf32, #tpu.memory_space<vmem>>
    %dma_wait3A_158 = arith.constant 0 : i32
    %dma_wait3A_159 = arith.constant 0 : i32
    %dma_wait3A_160 = tpu.memref_slice %dma_wait3A_157[%dma_wait3A_152, %dma_wait3A_158, %dma_wait3A_159] : memref<2x128x128xf32, #tpu.memory_space<vmem>> -> memref<1x128x128xf32, #tpu.memory_space<vmem>>
    %dma_wait3A_161 = tpu.memref_squeeze %dma_wait3A_160 : memref<1x128x128xf32, #tpu.memory_space<vmem>> -> memref<128x128xf32, #tpu.memory_space<vmem>>
    %dma_wait3A_162 = arith.constant 0 : i32
    %dma_wait3A_163 = arith.constant 0 : i32
    %dma_wait3A_164 = tpu.memref_slice %arg5[%dma_wait3A_149, %dma_wait3A_162, %dma_wait3A_163] : memref<2x2x128xi32, #tpu.memory_space<vmem>> -> memref<1x2x128xi32, #tpu.memory_space<vmem>>
    %dma_wait3A_165 = tpu.memref_squeeze %dma_wait3A_164 : memref<1x2x128xi32, #tpu.memory_space<vmem>> -> memref<2x128xi32, #tpu.memory_space<vmem>>
    %dma_wait3A_166 = arith.constant 0 : i32
    %dma_wait3A_167 = tpu.memref_slice %dma_wait3A_165[%dma_wait3A_150, %dma_wait3A_166] : memref<2x128xi32, #tpu.memory_space<vmem>> -> memref<1x128xi32, #tpu.memory_space<vmem>>
    %dma_wait3A_168 = tpu.memref_squeeze %dma_wait3A_167 : memref<1x128xi32, #tpu.memory_space<vmem>> -> memref<128xi32, #tpu.memory_space<vmem>>
    %dma_wait3A_169 = arith.constant 0 : i32
    %dma_wait3A_170 = arith.constant 0 : i32
    %dma_wait3A_171 = tpu.memref_slice %arg2[%dma_wait3A_169, %dma_wait3A_170] : memref<1000000x128xf32, #tpu.memory_space<hbm>> -> memref<1000000x128xf32, #tpu.memory_space<hbm>>
    tpu.wait_indirect_dma semaphore(%arg9 : memref<!tpu.dma_semaphore, #tpu.memory_space<semaphore_mem>>) src(%dma_wait3A_171 : memref<1000000x128xf32, #tpu.memory_space<hbm>>) dst(%dma_wait3A_161 : memref<128x128xf32, #tpu.memory_space<vmem>>)
    %dma_wait3A_172 = arith.constant 0 : i32
    %dma_wait3A_173 = arith.constant 1 : i32
    %dma_wait3A_174 = arith.constant 0 : i32
    %dma_wait3A_175 = arith.constant 1 : i32
    %dma_wait3A_176 = arith.constant 0 : i32
    %dma_wait3A_177 = arith.constant 0 : i32
    %dma_wait3A_178 = arith.constant 0 : i32
    %dma_wait3A_179 = tpu.memref_slice %arg6[%dma_wait3A_174, %dma_wait3A_176, %dma_wait3A_177, %dma_wait3A_178] : memref<2x2x128x128xf32, #tpu.memory_space<vmem>> -> memref<1x2x128x128xf32, #tpu.memory_space<vmem>>
    %dma_wait3A_180 = tpu.memref_squeeze %dma_wait3A_179 : memref<1x2x128x128xf32, #tpu.memory_space<vmem>> -> memref<2x128x128xf32, #tpu.memory_space<vmem>>
    %dma_wait3A_181 = arith.constant 0 : i32
    %dma_wait3A_182 = arith.constant 0 : i32
    %dma_wait3A_183 = tpu.memref_slice %dma_wait3A_180[%dma_wait3A_175, %dma_wait3A_181, %dma_wait3A_182] : memref<2x128x128xf32, #tpu.memory_space<vmem>> -> memref<1x128x128xf32, #tpu.memory_space<vmem>>
    %dma_wait3A_184 = tpu.memref_squeeze %dma_wait3A_183 : memref<1x128x128xf32, #tpu.memory_space<vmem>> -> memref<128x128xf32, #tpu.memory_space<vmem>>
    %dma_wait3A_185 = arith.constant 0 : i32
    %dma_wait3A_186 = arith.constant 0 : i32
    %dma_wait3A_187 = tpu.memref_slice %arg5[%dma_wait3A_172, %dma_wait3A_185, %dma_wait3A_186] : memref<2x2x128xi32, #tpu.memory_space<vmem>> -> memref<1x2x128xi32, #tpu.memory_space<vmem>>
    %dma_wait3A_188 = tpu.memref_squeeze %dma_wait3A_187 : memref<1x2x128xi32, #tpu.memory_space<vmem>> -> memref<2x128xi32, #tpu.memory_space<vmem>>
    %dma_wait3A_189 = arith.constant 0 : i32
    %dma_wait3A_190 = tpu.memref_slice %dma_wait3A_188[%dma_wait3A_173, %dma_wait3A_189] : memref<2x128xi32, #tpu.memory_space<vmem>> -> memref<1x128xi32, #tpu.memory_space<vmem>>
    %dma_wait3A_191 = tpu.memref_squeeze %dma_wait3A_190 : memref<1x128xi32, #tpu.memory_space<vmem>> -> memref<128xi32, #tpu.memory_space<vmem>>
    %dma_wait3A_192 = arith.constant 0 : i32
    %dma_wait3A_193 = arith.constant 0 : i32
    %dma_wait3A_194 = tpu.memref_slice %arg2[%dma_wait3A_192, %dma_wait3A_193] : memref<1000000x128xf32, #tpu.memory_space<hbm>> -> memref<1000000x128xf32, #tpu.memory_space<hbm>>
    tpu.wait_indirect_dma semaphore(%arg9 : memref<!tpu.dma_semaphore, #tpu.memory_space<semaphore_mem>>) src(%dma_wait3A_194 : memref<1000000x128xf32, #tpu.memory_space<hbm>>) dst(%dma_wait3A_184 : memref<128x128xf32, #tpu.memory_space<vmem>>)
    %add3A_195 = arith.constant 4 : i32
    %add3A_196 = arith.addi %mul3A_2, %add3A_195 : i32
    %dma_start3A_197 = arith.constant 0 : i32
    %dma_start3A_198 = arith.constant 0 : i32
    %dma_start3A_199 = arith.constant 0 : i32
    %dma_start3A_200 = tpu.memref_slice %arg5[%dma_start3A_197, %dma_start3A_198, %dma_start3A_199] : memref<2x2x128xi32, #tpu.memory_space<vmem>> -> memref<1x2x128xi32, #tpu.memory_space<vmem>>
    %dma_start3A_201 = tpu.memref_squeeze %dma_start3A_200 : memref<1x2x128xi32, #tpu.memory_space<vmem>> -> memref<2x128xi32, #tpu.memory_space<vmem>>
    %dma_start3A_202 = arith.constant 0 : i32
    %dma_start3A_203 = tpu.memref_slice %arg3[%add3A_196, %dma_start3A_202] : memref<25600x128xi32, #tpu.memory_space<hbm>> -> memref<2x128xi32, #tpu.memory_space<hbm>>
    %dma_start3A_204 = arith.constant 0 : i32
    %dma_start3A_205 = arith.constant 0 : i32
    %dma_start3A_206 = tpu.memref_slice %arg5[%dma_start3A_197, %dma_start3A_204, %dma_start3A_205] : memref<2x2x128xi32, #tpu.memory_space<vmem>> -> memref<1x2x128xi32, #tpu.memory_space<vmem>>
    %dma_start3A_207 = tpu.memref_squeeze %dma_start3A_206 : memref<1x2x128xi32, #tpu.memory_space<vmem>> -> memref<2x128xi32, #tpu.memory_space<vmem>>
    %dma_start3A_208 = arith.constant 0 : i32
    %dma_start3A_209 = tpu.memref_slice %arg3[%add3A_196, %dma_start3A_208] : memref<25600x128xi32, #tpu.memory_space<hbm>> -> memref<2x128xi32, #tpu.memory_space<hbm>>
    tpu.enqueue_dma source(%dma_start3A_209 : memref<2x128xi32, #tpu.memory_space<hbm>>) target(%dma_start3A_207 : memref<2x128xi32, #tpu.memory_space<vmem>>) target_semaphore(%arg7 : memref<!tpu.dma_semaphore, #tpu.memory_space<semaphore_mem>>)
    %add3A_210 = arith.constant 0 : i32
    %add3A_211 = arith.addi %mul3A_2, %add3A_210 : i32
    %dma_start3A_212 = arith.constant 0 : i32
    %dma_start3A_213 = arith.constant 0 : i32
    %dma_start3A_214 = arith.constant 0 : i32
    %dma_start3A_215 = arith.constant 0 : i32
    %dma_start3A_216 = tpu.memref_slice %arg6[%dma_start3A_212, %dma_start3A_213, %dma_start3A_214, %dma_start3A_215] : memref<2x2x128x128xf32, #tpu.memory_space<vmem>> -> memref<1x2x128x128xf32, #tpu.memory_space<vmem>>
    %dma_start3A_217 = tpu.memref_squeeze %dma_start3A_216 : memref<1x2x128x128xf32, #tpu.memory_space<vmem>> -> memref<2x128x128xf32, #tpu.memory_space<vmem>>
    %dma_start3A_218 = arith.constant 0 : i32
    %dma_start3A_219 = arith.constant 0 : i32
    %dma_start3A_220 = tpu.memref_slice %arg4[%add3A_211, %dma_start3A_218, %dma_start3A_219] : memref<25600x128x128xf32, #tpu.memory_space<hbm>> -> memref<2x128x128xf32, #tpu.memory_space<hbm>>
    %dma_start3A_221 = arith.constant 0 : i32
    %dma_start3A_222 = arith.constant 0 : i32
    %dma_start3A_223 = tpu.memref_slice %arg4[%add3A_211, %dma_start3A_221, %dma_start3A_222] : memref<25600x128x128xf32, #tpu.memory_space<hbm>> -> memref<2x128x128xf32, #tpu.memory_space<hbm>>
    %dma_start3A_224 = arith.constant 0 : i32
    %dma_start3A_225 = arith.constant 0 : i32
    %dma_start3A_226 = arith.constant 0 : i32
    %dma_start3A_227 = tpu.memref_slice %arg6[%dma_start3A_212, %dma_start3A_224, %dma_start3A_225, %dma_start3A_226] : memref<2x2x128x128xf32, #tpu.memory_space<vmem>> -> memref<1x2x128x128xf32, #tpu.memory_space<vmem>>
    %dma_start3A_228 = tpu.memref_squeeze %dma_start3A_227 : memref<1x2x128x128xf32, #tpu.memory_space<vmem>> -> memref<2x128x128xf32, #tpu.memory_space<vmem>>
    tpu.enqueue_dma source(%dma_start3A_228 : memref<2x128x128xf32, #tpu.memory_space<vmem>>) target(%dma_start3A_223 : memref<2x128x128xf32, #tpu.memory_space<hbm>>) target_semaphore(%arg11 : memref<!tpu.dma_semaphore, #tpu.memory_space<semaphore_mem>>)
    %scan3A = arith.constant 0 : i32
    %scan3A_229 = arith.constant 1 : i32
    %scan3A_230 = arith.constant 198 : i32
    %scan3A_231 = arith.addi %scan3A_229, %scan3A_230 : i32
    %scan3A_232 = arith.constant 1 : i32
    scf.for %scan3A_630 = %scan3A_229 to %scan3A_231 step %scan3A_232  : i32 {
      %mul3A_631 = arith.constant 2 : i32
      %mul3A_632 = arith.muli %mul3A_631, %scan3A_630 : i32
      %add3A_633 = arith.constant 0 : i32
      %add3A_634 = arith.addi %mul3A_632, %add3A_633 : i32
      %dma_wait3A_635 = arith.constant 0 : i32
      %dma_wait3A_636 = arith.constant 0 : i32
      %dma_wait3A_637 = arith.constant 0 : i32
      %dma_wait3A_638 = tpu.memref_slice %arg5[%dma_wait3A_635, %dma_wait3A_636, %dma_wait3A_637] : memref<2x2x128xi32, #tpu.memory_space<vmem>> -> memref<1x2x128xi32, #tpu.memory_space<vmem>>
      %dma_wait3A_639 = tpu.memref_squeeze %dma_wait3A_638 : memref<1x2x128xi32, #tpu.memory_space<vmem>> -> memref<2x128xi32, #tpu.memory_space<vmem>>
      %dma_wait3A_640 = arith.constant 0 : i32
      %dma_wait3A_641 = tpu.memref_slice %arg3[%mul3A_2, %dma_wait3A_640] : memref<25600x128xi32, #tpu.memory_space<hbm>> -> memref<2x128xi32, #tpu.memory_space<hbm>>
      %dma_wait3A_642 = arith.constant 0 : i32
      %dma_wait3A_643 = arith.constant 0 : i32
      %dma_wait3A_644 = tpu.memref_slice %arg5[%dma_wait3A_635, %dma_wait3A_642, %dma_wait3A_643] : memref<2x2x128xi32, #tpu.memory_space<vmem>> -> memref<1x2x128xi32, #tpu.memory_space<vmem>>
      %dma_wait3A_645 = tpu.memref_squeeze %dma_wait3A_644 : memref<1x2x128xi32, #tpu.memory_space<vmem>> -> memref<2x128xi32, #tpu.memory_space<vmem>>
      %dma_wait3A_646 = arith.constant 0 : i32
      %dma_wait3A_647 = tpu.memref_slice %arg3[%mul3A_2, %dma_wait3A_646] : memref<25600x128xi32, #tpu.memory_space<hbm>> -> memref<2x128xi32, #tpu.memory_space<hbm>>
      tpu.wait_dma2 semaphore(%arg7 : memref<!tpu.dma_semaphore, #tpu.memory_space<semaphore_mem>>) src(%dma_wait3A_647 : memref<2x128xi32, #tpu.memory_space<hbm>>) dst(%dma_wait3A_645 : memref<2x128xi32, #tpu.memory_space<vmem>>)
      %dma_wait3A_648 = arith.constant 0 : i32
      %dma_wait3A_649 = arith.constant 0 : i32
      %dma_wait3A_650 = arith.constant 0 : i32
      %dma_wait3A_651 = arith.constant 0 : i32
      %dma_wait3A_652 = tpu.memref_slice %arg6[%dma_wait3A_648, %dma_wait3A_649, %dma_wait3A_650, %dma_wait3A_651] : memref<2x2x128x128xf32, #tpu.memory_space<vmem>> -> memref<1x2x128x128xf32, #tpu.memory_space<vmem>>
      %dma_wait3A_653 = tpu.memref_squeeze %dma_wait3A_652 : memref<1x2x128x128xf32, #tpu.memory_space<vmem>> -> memref<2x128x128xf32, #tpu.memory_space<vmem>>
      %dma_wait3A_654 = arith.constant 0 : i32
      %dma_wait3A_655 = arith.constant 0 : i32
      %dma_wait3A_656 = tpu.memref_slice %arg4[%mul3A_2, %dma_wait3A_654, %dma_wait3A_655] : memref<25600x128x128xf32, #tpu.memory_space<hbm>> -> memref<2x128x128xf32, #tpu.memory_space<hbm>>
      %dma_wait3A_657 = arith.constant 0 : i32
      %dma_wait3A_658 = arith.constant 0 : i32
      %dma_wait3A_659 = tpu.memref_slice %arg4[%mul3A_2, %dma_wait3A_657, %dma_wait3A_658] : memref<25600x128x128xf32, #tpu.memory_space<hbm>> -> memref<2x128x128xf32, #tpu.memory_space<hbm>>
      %dma_wait3A_660 = arith.constant 0 : i32
      %dma_wait3A_661 = arith.constant 0 : i32
      %dma_wait3A_662 = arith.constant 0 : i32
      %dma_wait3A_663 = tpu.memref_slice %arg6[%dma_wait3A_648, %dma_wait3A_660, %dma_wait3A_661, %dma_wait3A_662] : memref<2x2x128x128xf32, #tpu.memory_space<vmem>> -> memref<1x2x128x128xf32, #tpu.memory_space<vmem>>
      %dma_wait3A_664 = tpu.memref_squeeze %dma_wait3A_663 : memref<1x2x128x128xf32, #tpu.memory_space<vmem>> -> memref<2x128x128xf32, #tpu.memory_space<vmem>>
      tpu.wait_dma2 semaphore(%arg11 : memref<!tpu.dma_semaphore, #tpu.memory_space<semaphore_mem>>) src(%dma_wait3A_664 : memref<2x128x128xf32, #tpu.memory_space<vmem>>) dst(%dma_wait3A_659 : memref<2x128x128xf32, #tpu.memory_space<hbm>>)
      %dma_start3A_665 = arith.constant 0 : i32
      %dma_start3A_666 = arith.constant 0 : i32
      %dma_start3A_667 = arith.constant 0 : i32
      %dma_start3A_668 = arith.constant 0 : i32
      %dma_start3A_669 = arith.constant 0 : i32
      %dma_start3A_670 = arith.constant 0 : i32
      %dma_start3A_671 = arith.constant 0 : i32
      %dma_start3A_672 = tpu.memref_slice %arg6[%dma_start3A_667, %dma_start3A_669, %dma_start3A_670, %dma_start3A_671] : memref<2x2x128x128xf32, #tpu.memory_space<vmem>> -> memref<1x2x128x128xf32, #tpu.memory_space<vmem>>
      %dma_start3A_673 = tpu.memref_squeeze %dma_start3A_672 : memref<1x2x128x128xf32, #tpu.memory_space<vmem>> -> memref<2x128x128xf32, #tpu.memory_space<vmem>>
      %dma_start3A_674 = arith.constant 0 : i32
      %dma_start3A_675 = arith.constant 0 : i32
      %dma_start3A_676 = tpu.memref_slice %dma_start3A_673[%dma_start3A_668, %dma_start3A_674, %dma_start3A_675] : memref<2x128x128xf32, #tpu.memory_space<vmem>> -> memref<1x128x128xf32, #tpu.memory_space<vmem>>
      %dma_start3A_677 = tpu.memref_squeeze %dma_start3A_676 : memref<1x128x128xf32, #tpu.memory_space<vmem>> -> memref<128x128xf32, #tpu.memory_space<vmem>>
      %dma_start3A_678 = arith.constant 0 : i32
      %dma_start3A_679 = arith.constant 0 : i32
      %dma_start3A_680 = tpu.memref_slice %arg5[%dma_start3A_665, %dma_start3A_678, %dma_start3A_679] : memref<2x2x128xi32, #tpu.memory_space<vmem>> -> memref<1x2x128xi32, #tpu.memory_space<vmem>>
      %dma_start3A_681 = tpu.memref_squeeze %dma_start3A_680 : memref<1x2x128xi32, #tpu.memory_space<vmem>> -> memref<2x128xi32, #tpu.memory_space<vmem>>
      %dma_start3A_682 = arith.constant 0 : i32
      %dma_start3A_683 = tpu.memref_slice %dma_start3A_681[%dma_start3A_666, %dma_start3A_682] : memref<2x128xi32, #tpu.memory_space<vmem>> -> memref<1x128xi32, #tpu.memory_space<vmem>>
      %dma_start3A_684 = tpu.memref_squeeze %dma_start3A_683 : memref<1x128xi32, #tpu.memory_space<vmem>> -> memref<128xi32, #tpu.memory_space<vmem>>
      %dma_start3A_685 = arith.constant 0 : i32
      %dma_start3A_686 = arith.constant 0 : i32
      %dma_start3A_687 = tpu.memref_slice %arg2[%dma_start3A_685, %dma_start3A_686] : memref<1000000x128xf32, #tpu.memory_space<hbm>> -> memref<1000000x128xf32, #tpu.memory_space<hbm>>
      tpu.enqueue_indirect_dma source(%dma_start3A_687 : memref<1000000x128xf32, #tpu.memory_space<hbm>>) target(%dma_start3A_677 : memref<128x128xf32, #tpu.memory_space<vmem>>) offsets(%dma_start3A_684 : memref<128xi32, #tpu.memory_space<vmem>>) semaphore(%arg9 : memref<!tpu.dma_semaphore, #tpu.memory_space<semaphore_mem>>)
      %dma_start3A_688 = arith.constant 0 : i32
      %dma_start3A_689 = arith.constant 1 : i32
      %dma_start3A_690 = arith.constant 0 : i32
      %dma_start3A_691 = arith.constant 1 : i32
      %dma_start3A_692 = arith.constant 0 : i32
      %dma_start3A_693 = arith.constant 0 : i32
      %dma_start3A_694 = arith.constant 0 : i32
      %dma_start3A_695 = tpu.memref_slice %arg6[%dma_start3A_690, %dma_start3A_692, %dma_start3A_693, %dma_start3A_694] : memref<2x2x128x128xf32, #tpu.memory_space<vmem>> -> memref<1x2x128x128xf32, #tpu.memory_space<vmem>>
      %dma_start3A_696 = tpu.memref_squeeze %dma_start3A_695 : memref<1x2x128x128xf32, #tpu.memory_space<vmem>> -> memref<2x128x128xf32, #tpu.memory_space<vmem>>
      %dma_start3A_697 = arith.constant 0 : i32
      %dma_start3A_698 = arith.constant 0 : i32
      %dma_start3A_699 = tpu.memref_slice %dma_start3A_696[%dma_start3A_691, %dma_start3A_697, %dma_start3A_698] : memref<2x128x128xf32, #tpu.memory_space<vmem>> -> memref<1x128x128xf32, #tpu.memory_space<vmem>>
      %dma_start3A_700 = tpu.memref_squeeze %dma_start3A_699 : memref<1x128x128xf32, #tpu.memory_space<vmem>> -> memref<128x128xf32, #tpu.memory_space<vmem>>
      %dma_start3A_701 = arith.constant 0 : i32
      %dma_start3A_702 = arith.constant 0 : i32
      %dma_start3A_703 = tpu.memref_slice %arg5[%dma_start3A_688, %dma_start3A_701, %dma_start3A_702] : memref<2x2x128xi32, #tpu.memory_space<vmem>> -> memref<1x2x128xi32, #tpu.memory_space<vmem>>
      %dma_start3A_704 = tpu.memref_squeeze %dma_start3A_703 : memref<1x2x128xi32, #tpu.memory_space<vmem>> -> memref<2x128xi32, #tpu.memory_space<vmem>>
      %dma_start3A_705 = arith.constant 0 : i32
      %dma_start3A_706 = tpu.memref_slice %dma_start3A_704[%dma_start3A_689, %dma_start3A_705] : memref<2x128xi32, #tpu.memory_space<vmem>> -> memref<1x128xi32, #tpu.memory_space<vmem>>
      %dma_start3A_707 = tpu.memref_squeeze %dma_start3A_706 : memref<1x128xi32, #tpu.memory_space<vmem>> -> memref<128xi32, #tpu.memory_space<vmem>>
      %dma_start3A_708 = arith.constant 0 : i32
      %dma_start3A_709 = arith.constant 0 : i32
      %dma_start3A_710 = tpu.memref_slice %arg2[%dma_start3A_708, %dma_start3A_709] : memref<1000000x128xf32, #tpu.memory_space<hbm>> -> memref<1000000x128xf32, #tpu.memory_space<hbm>>
      tpu.enqueue_indirect_dma source(%dma_start3A_710 : memref<1000000x128xf32, #tpu.memory_space<hbm>>) target(%dma_start3A_700 : memref<128x128xf32, #tpu.memory_space<vmem>>) offsets(%dma_start3A_707 : memref<128xi32, #tpu.memory_space<vmem>>) semaphore(%arg9 : memref<!tpu.dma_semaphore, #tpu.memory_space<semaphore_mem>>)
      %dma_wait3A_711 = arith.constant 1 : i32
      %dma_wait3A_712 = arith.constant 0 : i32
      %dma_wait3A_713 = arith.constant 1 : i32
      %dma_wait3A_714 = arith.constant 0 : i32
      %dma_wait3A_715 = arith.constant 0 : i32
      %dma_wait3A_716 = arith.constant 0 : i32
      %dma_wait3A_717 = arith.constant 0 : i32
      %dma_wait3A_718 = tpu.memref_slice %arg6[%dma_wait3A_713, %dma_wait3A_715, %dma_wait3A_716, %dma_wait3A_717] : memref<2x2x128x128xf32, #tpu.memory_space<vmem>> -> memref<1x2x128x128xf32, #tpu.memory_space<vmem>>
      %dma_wait3A_719 = tpu.memref_squeeze %dma_wait3A_718 : memref<1x2x128x128xf32, #tpu.memory_space<vmem>> -> memref<2x128x128xf32, #tpu.memory_space<vmem>>
      %dma_wait3A_720 = arith.constant 0 : i32
      %dma_wait3A_721 = arith.constant 0 : i32
      %dma_wait3A_722 = tpu.memref_slice %dma_wait3A_719[%dma_wait3A_714, %dma_wait3A_720, %dma_wait3A_721] : memref<2x128x128xf32, #tpu.memory_space<vmem>> -> memref<1x128x128xf32, #tpu.memory_space<vmem>>
      %dma_wait3A_723 = tpu.memref_squeeze %dma_wait3A_722 : memref<1x128x128xf32, #tpu.memory_space<vmem>> -> memref<128x128xf32, #tpu.memory_space<vmem>>
      %dma_wait3A_724 = arith.constant 0 : i32
      %dma_wait3A_725 = arith.constant 0 : i32
      %dma_wait3A_726 = tpu.memref_slice %arg5[%dma_wait3A_711, %dma_wait3A_724, %dma_wait3A_725] : memref<2x2x128xi32, #tpu.memory_space<vmem>> -> memref<1x2x128xi32, #tpu.memory_space<vmem>>
      %dma_wait3A_727 = tpu.memref_squeeze %dma_wait3A_726 : memref<1x2x128xi32, #tpu.memory_space<vmem>> -> memref<2x128xi32, #tpu.memory_space<vmem>>
      %dma_wait3A_728 = arith.constant 0 : i32
      %dma_wait3A_729 = tpu.memref_slice %dma_wait3A_727[%dma_wait3A_712, %dma_wait3A_728] : memref<2x128xi32, #tpu.memory_space<vmem>> -> memref<1x128xi32, #tpu.memory_space<vmem>>
      %dma_wait3A_730 = tpu.memref_squeeze %dma_wait3A_729 : memref<1x128xi32, #tpu.memory_space<vmem>> -> memref<128xi32, #tpu.memory_space<vmem>>
      %dma_wait3A_731 = arith.constant 0 : i32
      %dma_wait3A_732 = arith.constant 0 : i32
      %dma_wait3A_733 = tpu.memref_slice %arg2[%dma_wait3A_731, %dma_wait3A_732] : memref<1000000x128xf32, #tpu.memory_space<hbm>> -> memref<1000000x128xf32, #tpu.memory_space<hbm>>
      tpu.wait_indirect_dma semaphore(%arg10 : memref<!tpu.dma_semaphore, #tpu.memory_space<semaphore_mem>>) src(%dma_wait3A_733 : memref<1000000x128xf32, #tpu.memory_space<hbm>>) dst(%dma_wait3A_723 : memref<128x128xf32, #tpu.memory_space<vmem>>)
      %dma_wait3A_734 = arith.constant 1 : i32
      %dma_wait3A_735 = arith.constant 1 : i32
      %dma_wait3A_736 = arith.constant 1 : i32
      %dma_wait3A_737 = arith.constant 1 : i32
      %dma_wait3A_738 = arith.constant 0 : i32
      %dma_wait3A_739 = arith.constant 0 : i32
      %dma_wait3A_740 = arith.constant 0 : i32
      %dma_wait3A_741 = tpu.memref_slice %arg6[%dma_wait3A_736, %dma_wait3A_738, %dma_wait3A_739, %dma_wait3A_740] : memref<2x2x128x128xf32, #tpu.memory_space<vmem>> -> memref<1x2x128x128xf32, #tpu.memory_space<vmem>>
      %dma_wait3A_742 = tpu.memref_squeeze %dma_wait3A_741 : memref<1x2x128x128xf32, #tpu.memory_space<vmem>> -> memref<2x128x128xf32, #tpu.memory_space<vmem>>
      %dma_wait3A_743 = arith.constant 0 : i32
      %dma_wait3A_744 = arith.constant 0 : i32
      %dma_wait3A_745 = tpu.memref_slice %dma_wait3A_742[%dma_wait3A_737, %dma_wait3A_743, %dma_wait3A_744] : memref<2x128x128xf32, #tpu.memory_space<vmem>> -> memref<1x128x128xf32, #tpu.memory_space<vmem>>
      %dma_wait3A_746 = tpu.memref_squeeze %dma_wait3A_745 : memref<1x128x128xf32, #tpu.memory_space<vmem>> -> memref<128x128xf32, #tpu.memory_space<vmem>>
      %dma_wait3A_747 = arith.constant 0 : i32
      %dma_wait3A_748 = arith.constant 0 : i32
      %dma_wait3A_749 = tpu.memref_slice %arg5[%dma_wait3A_734, %dma_wait3A_747, %dma_wait3A_748] : memref<2x2x128xi32, #tpu.memory_space<vmem>> -> memref<1x2x128xi32, #tpu.memory_space<vmem>>
      %dma_wait3A_750 = tpu.memref_squeeze %dma_wait3A_749 : memref<1x2x128xi32, #tpu.memory_space<vmem>> -> memref<2x128xi32, #tpu.memory_space<vmem>>
      %dma_wait3A_751 = arith.constant 0 : i32
      %dma_wait3A_752 = tpu.memref_slice %dma_wait3A_750[%dma_wait3A_735, %dma_wait3A_751] : memref<2x128xi32, #tpu.memory_space<vmem>> -> memref<1x128xi32, #tpu.memory_space<vmem>>
      %dma_wait3A_753 = tpu.memref_squeeze %dma_wait3A_752 : memref<1x128xi32, #tpu.memory_space<vmem>> -> memref<128xi32, #tpu.memory_space<vmem>>
      %dma_wait3A_754 = arith.constant 0 : i32
      %dma_wait3A_755 = arith.constant 0 : i32
      %dma_wait3A_756 = tpu.memref_slice %arg2[%dma_wait3A_754, %dma_wait3A_755] : memref<1000000x128xf32, #tpu.memory_space<hbm>> -> memref<1000000x128xf32, #tpu.memory_space<hbm>>
      tpu.wait_indirect_dma semaphore(%arg10 : memref<!tpu.dma_semaphore, #tpu.memory_space<semaphore_mem>>) src(%dma_wait3A_756 : memref<1000000x128xf32, #tpu.memory_space<hbm>>) dst(%dma_wait3A_746 : memref<128x128xf32, #tpu.memory_space<vmem>>)
      %add3A_757 = arith.constant 1 : i32
      %add3A_758 = arith.addi %add3A_634, %add3A_757 : i32
      %mul3A_759 = arith.constant 2 : i32
      %mul3A_760 = arith.muli %add3A_758, %mul3A_759 : i32
      %add3A_761 = arith.addi %mul3A_2, %mul3A_760 : i32
      %dma_start3A_762 = arith.constant 1 : i32
      %dma_start3A_763 = arith.constant 0 : i32
      %dma_start3A_764 = arith.constant 0 : i32
      %dma_start3A_765 = tpu.memref_slice %arg5[%dma_start3A_762, %dma_start3A_763, %dma_start3A_764] : memref<2x2x128xi32, #tpu.memory_space<vmem>> -> memref<1x2x128xi32, #tpu.memory_space<vmem>>
      %dma_start3A_766 = tpu.memref_squeeze %dma_start3A_765 : memref<1x2x128xi32, #tpu.memory_space<vmem>> -> memref<2x128xi32, #tpu.memory_space<vmem>>
      %dma_start3A_767 = arith.constant 0 : i32
      %dma_start3A_768 = tpu.memref_slice %arg3[%add3A_761, %dma_start3A_767] : memref<25600x128xi32, #tpu.memory_space<hbm>> -> memref<2x128xi32, #tpu.memory_space<hbm>>
      %dma_start3A_769 = arith.constant 0 : i32
      %dma_start3A_770 = arith.constant 0 : i32
      %dma_start3A_771 = tpu.memref_slice %arg5[%dma_start3A_762, %dma_start3A_769, %dma_start3A_770] : memref<2x2x128xi32, #tpu.memory_space<vmem>> -> memref<1x2x128xi32, #tpu.memory_space<vmem>>
      %dma_start3A_772 = tpu.memref_squeeze %dma_start3A_771 : memref<1x2x128xi32, #tpu.memory_space<vmem>> -> memref<2x128xi32, #tpu.memory_space<vmem>>
      %dma_start3A_773 = arith.constant 0 : i32
      %dma_start3A_774 = tpu.memref_slice %arg3[%add3A_761, %dma_start3A_773] : memref<25600x128xi32, #tpu.memory_space<hbm>> -> memref<2x128xi32, #tpu.memory_space<hbm>>
      tpu.enqueue_dma source(%dma_start3A_774 : memref<2x128xi32, #tpu.memory_space<hbm>>) target(%dma_start3A_772 : memref<2x128xi32, #tpu.memory_space<vmem>>) target_semaphore(%arg8 : memref<!tpu.dma_semaphore, #tpu.memory_space<semaphore_mem>>)
      %sub3A = arith.constant 1 : i32
      %sub3A_775 = arith.subi %add3A_634, %sub3A : i32
      %mul3A_776 = arith.constant 2 : i32
      %mul3A_777 = arith.muli %sub3A_775, %mul3A_776 : i32
      %add3A_778 = arith.addi %mul3A_2, %mul3A_777 : i32
      %dma_start3A_779 = arith.constant 1 : i32
      %dma_start3A_780 = arith.constant 0 : i32
      %dma_start3A_781 = arith.constant 0 : i32
      %dma_start3A_782 = arith.constant 0 : i32
      %dma_start3A_783 = tpu.memref_slice %arg6[%dma_start3A_779, %dma_start3A_780, %dma_start3A_781, %dma_start3A_782] : memref<2x2x128x128xf32, #tpu.memory_space<vmem>> -> memref<1x2x128x128xf32, #tpu.memory_space<vmem>>
      %dma_start3A_784 = tpu.memref_squeeze %dma_start3A_783 : memref<1x2x128x128xf32, #tpu.memory_space<vmem>> -> memref<2x128x128xf32, #tpu.memory_space<vmem>>
      %dma_start3A_785 = arith.constant 0 : i32
      %dma_start3A_786 = arith.constant 0 : i32
      %dma_start3A_787 = tpu.memref_slice %arg4[%add3A_778, %dma_start3A_785, %dma_start3A_786] : memref<25600x128x128xf32, #tpu.memory_space<hbm>> -> memref<2x128x128xf32, #tpu.memory_space<hbm>>
      %dma_start3A_788 = arith.constant 0 : i32
      %dma_start3A_789 = arith.constant 0 : i32
      %dma_start3A_790 = tpu.memref_slice %arg4[%add3A_778, %dma_start3A_788, %dma_start3A_789] : memref<25600x128x128xf32, #tpu.memory_space<hbm>> -> memref<2x128x128xf32, #tpu.memory_space<hbm>>
      %dma_start3A_791 = arith.constant 0 : i32
      %dma_start3A_792 = arith.constant 0 : i32
      %dma_start3A_793 = arith.constant 0 : i32
      %dma_start3A_794 = tpu.memref_slice %arg6[%dma_start3A_779, %dma_start3A_791, %dma_start3A_792, %dma_start3A_793] : memref<2x2x128x128xf32, #tpu.memory_space<vmem>> -> memref<1x2x128x128xf32, #tpu.memory_space<vmem>>
      %dma_start3A_795 = tpu.memref_squeeze %dma_start3A_794 : memref<1x2x128x128xf32, #tpu.memory_space<vmem>> -> memref<2x128x128xf32, #tpu.memory_space<vmem>>
      tpu.enqueue_dma source(%dma_start3A_795 : memref<2x128x128xf32, #tpu.memory_space<vmem>>) target(%dma_start3A_790 : memref<2x128x128xf32, #tpu.memory_space<hbm>>) target_semaphore(%arg12 : memref<!tpu.dma_semaphore, #tpu.memory_space<semaphore_mem>>)
      %mul3A_796 = arith.constant 2 : i32
      %mul3A_797 = arith.muli %mul3A_796, %scan3A_630 : i32
      %add3A_798 = arith.constant 1 : i32
      %add3A_799 = arith.addi %mul3A_797, %add3A_798 : i32
      %dma_wait3A_800 = arith.constant 1 : i32
      %dma_wait3A_801 = arith.constant 0 : i32
      %dma_wait3A_802 = arith.constant 0 : i32
      %dma_wait3A_803 = tpu.memref_slice %arg5[%dma_wait3A_800, %dma_wait3A_801, %dma_wait3A_802] : memref<2x2x128xi32, #tpu.memory_space<vmem>> -> memref<1x2x128xi32, #tpu.memory_space<vmem>>
      %dma_wait3A_804 = tpu.memref_squeeze %dma_wait3A_803 : memref<1x2x128xi32, #tpu.memory_space<vmem>> -> memref<2x128xi32, #tpu.memory_space<vmem>>
      %dma_wait3A_805 = arith.constant 0 : i32
      %dma_wait3A_806 = tpu.memref_slice %arg3[%mul3A_2, %dma_wait3A_805] : memref<25600x128xi32, #tpu.memory_space<hbm>> -> memref<2x128xi32, #tpu.memory_space<hbm>>
      %dma_wait3A_807 = arith.constant 0 : i32
      %dma_wait3A_808 = arith.constant 0 : i32
      %dma_wait3A_809 = tpu.memref_slice %arg5[%dma_wait3A_800, %dma_wait3A_807, %dma_wait3A_808] : memref<2x2x128xi32, #tpu.memory_space<vmem>> -> memref<1x2x128xi32, #tpu.memory_space<vmem>>
      %dma_wait3A_810 = tpu.memref_squeeze %dma_wait3A_809 : memref<1x2x128xi32, #tpu.memory_space<vmem>> -> memref<2x128xi32, #tpu.memory_space<vmem>>
      %dma_wait3A_811 = arith.constant 0 : i32
      %dma_wait3A_812 = tpu.memref_slice %arg3[%mul3A_2, %dma_wait3A_811] : memref<25600x128xi32, #tpu.memory_space<hbm>> -> memref<2x128xi32, #tpu.memory_space<hbm>>
      tpu.wait_dma2 semaphore(%arg8 : memref<!tpu.dma_semaphore, #tpu.memory_space<semaphore_mem>>) src(%dma_wait3A_812 : memref<2x128xi32, #tpu.memory_space<hbm>>) dst(%dma_wait3A_810 : memref<2x128xi32, #tpu.memory_space<vmem>>)
      %dma_wait3A_813 = arith.constant 1 : i32
      %dma_wait3A_814 = arith.constant 0 : i32
      %dma_wait3A_815 = arith.constant 0 : i32
      %dma_wait3A_816 = arith.constant 0 : i32
      %dma_wait3A_817 = tpu.memref_slice %arg6[%dma_wait3A_813, %dma_wait3A_814, %dma_wait3A_815, %dma_wait3A_816] : memref<2x2x128x128xf32, #tpu.memory_space<vmem>> -> memref<1x2x128x128xf32, #tpu.memory_space<vmem>>
      %dma_wait3A_818 = tpu.memref_squeeze %dma_wait3A_817 : memref<1x2x128x128xf32, #tpu.memory_space<vmem>> -> memref<2x128x128xf32, #tpu.memory_space<vmem>>
      %dma_wait3A_819 = arith.constant 0 : i32
      %dma_wait3A_820 = arith.constant 0 : i32
      %dma_wait3A_821 = tpu.memref_slice %arg4[%mul3A_2, %dma_wait3A_819, %dma_wait3A_820] : memref<25600x128x128xf32, #tpu.memory_space<hbm>> -> memref<2x128x128xf32, #tpu.memory_space<hbm>>
      %dma_wait3A_822 = arith.constant 0 : i32
      %dma_wait3A_823 = arith.constant 0 : i32
      %dma_wait3A_824 = tpu.memref_slice %arg4[%mul3A_2, %dma_wait3A_822, %dma_wait3A_823] : memref<25600x128x128xf32, #tpu.memory_space<hbm>> -> memref<2x128x128xf32, #tpu.memory_space<hbm>>
      %dma_wait3A_825 = arith.constant 0 : i32
      %dma_wait3A_826 = arith.constant 0 : i32
      %dma_wait3A_827 = arith.constant 0 : i32
      %dma_wait3A_828 = tpu.memref_slice %arg6[%dma_wait3A_813, %dma_wait3A_825, %dma_wait3A_826, %dma_wait3A_827] : memref<2x2x128x128xf32, #tpu.memory_space<vmem>> -> memref<1x2x128x128xf32, #tpu.memory_space<vmem>>
      %dma_wait3A_829 = tpu.memref_squeeze %dma_wait3A_828 : memref<1x2x128x128xf32, #tpu.memory_space<vmem>> -> memref<2x128x128xf32, #tpu.memory_space<vmem>>
      tpu.wait_dma2 semaphore(%arg12 : memref<!tpu.dma_semaphore, #tpu.memory_space<semaphore_mem>>) src(%dma_wait3A_829 : memref<2x128x128xf32, #tpu.memory_space<vmem>>) dst(%dma_wait3A_824 : memref<2x128x128xf32, #tpu.memory_space<hbm>>)
      %dma_start3A_830 = arith.constant 1 : i32
      %dma_start3A_831 = arith.constant 0 : i32
      %dma_start3A_832 = arith.constant 1 : i32
      %dma_start3A_833 = arith.constant 0 : i32
      %dma_start3A_834 = arith.constant 0 : i32
      %dma_start3A_835 = arith.constant 0 : i32
      %dma_start3A_836 = arith.constant 0 : i32
      %dma_start3A_837 = tpu.memref_slice %arg6[%dma_start3A_832, %dma_start3A_834, %dma_start3A_835, %dma_start3A_836] : memref<2x2x128x128xf32, #tpu.memory_space<vmem>> -> memref<1x2x128x128xf32, #tpu.memory_space<vmem>>
      %dma_start3A_838 = tpu.memref_squeeze %dma_start3A_837 : memref<1x2x128x128xf32, #tpu.memory_space<vmem>> -> memref<2x128x128xf32, #tpu.memory_space<vmem>>
      %dma_start3A_839 = arith.constant 0 : i32
      %dma_start3A_840 = arith.constant 0 : i32
      %dma_start3A_841 = tpu.memref_slice %dma_start3A_838[%dma_start3A_833, %dma_start3A_839, %dma_start3A_840] : memref<2x128x128xf32, #tpu.memory_space<vmem>> -> memref<1x128x128xf32, #tpu.memory_space<vmem>>
      %dma_start3A_842 = tpu.memref_squeeze %dma_start3A_841 : memref<1x128x128xf32, #tpu.memory_space<vmem>> -> memref<128x128xf32, #tpu.memory_space<vmem>>
      %dma_start3A_843 = arith.constant 0 : i32
      %dma_start3A_844 = arith.constant 0 : i32
      %dma_start3A_845 = tpu.memref_slice %arg5[%dma_start3A_830, %dma_start3A_843, %dma_start3A_844] : memref<2x2x128xi32, #tpu.memory_space<vmem>> -> memref<1x2x128xi32, #tpu.memory_space<vmem>>
      %dma_start3A_846 = tpu.memref_squeeze %dma_start3A_845 : memref<1x2x128xi32, #tpu.memory_space<vmem>> -> memref<2x128xi32, #tpu.memory_space<vmem>>
      %dma_start3A_847 = arith.constant 0 : i32
      %dma_start3A_848 = tpu.memref_slice %dma_start3A_846[%dma_start3A_831, %dma_start3A_847] : memref<2x128xi32, #tpu.memory_space<vmem>> -> memref<1x128xi32, #tpu.memory_space<vmem>>
      %dma_start3A_849 = tpu.memref_squeeze %dma_start3A_848 : memref<1x128xi32, #tpu.memory_space<vmem>> -> memref<128xi32, #tpu.memory_space<vmem>>
      %dma_start3A_850 = arith.constant 0 : i32
      %dma_start3A_851 = arith.constant 0 : i32
      %dma_start3A_852 = tpu.memref_slice %arg2[%dma_start3A_850, %dma_start3A_851] : memref<1000000x128xf32, #tpu.memory_space<hbm>> -> memref<1000000x128xf32, #tpu.memory_space<hbm>>
      tpu.enqueue_indirect_dma source(%dma_start3A_852 : memref<1000000x128xf32, #tpu.memory_space<hbm>>) target(%dma_start3A_842 : memref<128x128xf32, #tpu.memory_space<vmem>>) offsets(%dma_start3A_849 : memref<128xi32, #tpu.memory_space<vmem>>) semaphore(%arg10 : memref<!tpu.dma_semaphore, #tpu.memory_space<semaphore_mem>>)
      %dma_start3A_853 = arith.constant 1 : i32
      %dma_start3A_854 = arith.constant 1 : i32
      %dma_start3A_855 = arith.constant 1 : i32
      %dma_start3A_856 = arith.constant 1 : i32
      %dma_start3A_857 = arith.constant 0 : i32
      %dma_start3A_858 = arith.constant 0 : i32
      %dma_start3A_859 = arith.constant 0 : i32
      %dma_start3A_860 = tpu.memref_slice %arg6[%dma_start3A_855, %dma_start3A_857, %dma_start3A_858, %dma_start3A_859] : memref<2x2x128x128xf32, #tpu.memory_space<vmem>> -> memref<1x2x128x128xf32, #tpu.memory_space<vmem>>
      %dma_start3A_861 = tpu.memref_squeeze %dma_start3A_860 : memref<1x2x128x128xf32, #tpu.memory_space<vmem>> -> memref<2x128x128xf32, #tpu.memory_space<vmem>>
      %dma_start3A_862 = arith.constant 0 : i32
      %dma_start3A_863 = arith.constant 0 : i32
      %dma_start3A_864 = tpu.memref_slice %dma_start3A_861[%dma_start3A_856, %dma_start3A_862, %dma_start3A_863] : memref<2x128x128xf32, #tpu.memory_space<vmem>> -> memref<1x128x128xf32, #tpu.memory_space<vmem>>
      %dma_start3A_865 = tpu.memref_squeeze %dma_start3A_864 : memref<1x128x128xf32, #tpu.memory_space<vmem>> -> memref<128x128xf32, #tpu.memory_space<vmem>>
      %dma_start3A_866 = arith.constant 0 : i32
      %dma_start3A_867 = arith.constant 0 : i32
      %dma_start3A_868 = tpu.memref_slice %arg5[%dma_start3A_853, %dma_start3A_866, %dma_start3A_867] : memref<2x2x128xi32, #tpu.memory_space<vmem>> -> memref<1x2x128xi32, #tpu.memory_space<vmem>>
      %dma_start3A_869 = tpu.memref_squeeze %dma_start3A_868 : memref<1x2x128xi32, #tpu.memory_space<vmem>> -> memref<2x128xi32, #tpu.memory_space<vmem>>
      %dma_start3A_870 = arith.constant 0 : i32
      %dma_start3A_871 = tpu.memref_slice %dma_start3A_869[%dma_start3A_854, %dma_start3A_870] : memref<2x128xi32, #tpu.memory_space<vmem>> -> memref<1x128xi32, #tpu.memory_space<vmem>>
      %dma_start3A_872 = tpu.memref_squeeze %dma_start3A_871 : memref<1x128xi32, #tpu.memory_space<vmem>> -> memref<128xi32, #tpu.memory_space<vmem>>
      %dma_start3A_873 = arith.constant 0 : i32
      %dma_start3A_874 = arith.constant 0 : i32
      %dma_start3A_875 = tpu.memref_slice %arg2[%dma_start3A_873, %dma_start3A_874] : memref<1000000x128xf32, #tpu.memory_space<hbm>> -> memref<1000000x128xf32, #tpu.memory_space<hbm>>
      tpu.enqueue_indirect_dma source(%dma_start3A_875 : memref<1000000x128xf32, #tpu.memory_space<hbm>>) target(%dma_start3A_865 : memref<128x128xf32, #tpu.memory_space<vmem>>) offsets(%dma_start3A_872 : memref<128xi32, #tpu.memory_space<vmem>>) semaphore(%arg10 : memref<!tpu.dma_semaphore, #tpu.memory_space<semaphore_mem>>)
      %dma_wait3A_876 = arith.constant 0 : i32
      %dma_wait3A_877 = arith.constant 0 : i32
      %dma_wait3A_878 = arith.constant 0 : i32
      %dma_wait3A_879 = arith.constant 0 : i32
      %dma_wait3A_880 = arith.constant 0 : i32
      %dma_wait3A_881 = arith.constant 0 : i32
      %dma_wait3A_882 = arith.constant 0 : i32
      %dma_wait3A_883 = tpu.memref_slice %arg6[%dma_wait3A_878, %dma_wait3A_880, %dma_wait3A_881, %dma_wait3A_882] : memref<2x2x128x128xf32, #tpu.memory_space<vmem>> -> memref<1x2x128x128xf32, #tpu.memory_space<vmem>>
      %dma_wait3A_884 = tpu.memref_squeeze %dma_wait3A_883 : memref<1x2x128x128xf32, #tpu.memory_space<vmem>> -> memref<2x128x128xf32, #tpu.memory_space<vmem>>
      %dma_wait3A_885 = arith.constant 0 : i32
      %dma_wait3A_886 = arith.constant 0 : i32
      %dma_wait3A_887 = tpu.memref_slice %dma_wait3A_884[%dma_wait3A_879, %dma_wait3A_885, %dma_wait3A_886] : memref<2x128x128xf32, #tpu.memory_space<vmem>> -> memref<1x128x128xf32, #tpu.memory_space<vmem>>
      %dma_wait3A_888 = tpu.memref_squeeze %dma_wait3A_887 : memref<1x128x128xf32, #tpu.memory_space<vmem>> -> memref<128x128xf32, #tpu.memory_space<vmem>>
      %dma_wait3A_889 = arith.constant 0 : i32
      %dma_wait3A_890 = arith.constant 0 : i32
      %dma_wait3A_891 = tpu.memref_slice %arg5[%dma_wait3A_876, %dma_wait3A_889, %dma_wait3A_890] : memref<2x2x128xi32, #tpu.memory_space<vmem>> -> memref<1x2x128xi32, #tpu.memory_space<vmem>>
      %dma_wait3A_892 = tpu.memref_squeeze %dma_wait3A_891 : memref<1x2x128xi32, #tpu.memory_space<vmem>> -> memref<2x128xi32, #tpu.memory_space<vmem>>
      %dma_wait3A_893 = arith.constant 0 : i32
      %dma_wait3A_894 = tpu.memref_slice %dma_wait3A_892[%dma_wait3A_877, %dma_wait3A_893] : memref<2x128xi32, #tpu.memory_space<vmem>> -> memref<1x128xi32, #tpu.memory_space<vmem>>
      %dma_wait3A_895 = tpu.memref_squeeze %dma_wait3A_894 : memref<1x128xi32, #tpu.memory_space<vmem>> -> memref<128xi32, #tpu.memory_space<vmem>>
      %dma_wait3A_896 = arith.constant 0 : i32
      %dma_wait3A_897 = arith.constant 0 : i32
      %dma_wait3A_898 = tpu.memref_slice %arg2[%dma_wait3A_896, %dma_wait3A_897] : memref<1000000x128xf32, #tpu.memory_space<hbm>> -> memref<1000000x128xf32, #tpu.memory_space<hbm>>
      tpu.wait_indirect_dma semaphore(%arg9 : memref<!tpu.dma_semaphore, #tpu.memory_space<semaphore_mem>>) src(%dma_wait3A_898 : memref<1000000x128xf32, #tpu.memory_space<hbm>>) dst(%dma_wait3A_888 : memref<128x128xf32, #tpu.memory_space<vmem>>)
      %dma_wait3A_899 = arith.constant 0 : i32
      %dma_wait3A_900 = arith.constant 1 : i32
      %dma_wait3A_901 = arith.constant 0 : i32
      %dma_wait3A_902 = arith.constant 1 : i32
      %dma_wait3A_903 = arith.constant 0 : i32
      %dma_wait3A_904 = arith.constant 0 : i32
      %dma_wait3A_905 = arith.constant 0 : i32
      %dma_wait3A_906 = tpu.memref_slice %arg6[%dma_wait3A_901, %dma_wait3A_903, %dma_wait3A_904, %dma_wait3A_905] : memref<2x2x128x128xf32, #tpu.memory_space<vmem>> -> memref<1x2x128x128xf32, #tpu.memory_space<vmem>>
      %dma_wait3A_907 = tpu.memref_squeeze %dma_wait3A_906 : memref<1x2x128x128xf32, #tpu.memory_space<vmem>> -> memref<2x128x128xf32, #tpu.memory_space<vmem>>
      %dma_wait3A_908 = arith.constant 0 : i32
      %dma_wait3A_909 = arith.constant 0 : i32
      %dma_wait3A_910 = tpu.memref_slice %dma_wait3A_907[%dma_wait3A_902, %dma_wait3A_908, %dma_wait3A_909] : memref<2x128x128xf32, #tpu.memory_space<vmem>> -> memref<1x128x128xf32, #tpu.memory_space<vmem>>
      %dma_wait3A_911 = tpu.memref_squeeze %dma_wait3A_910 : memref<1x128x128xf32, #tpu.memory_space<vmem>> -> memref<128x128xf32, #tpu.memory_space<vmem>>
      %dma_wait3A_912 = arith.constant 0 : i32
      %dma_wait3A_913 = arith.constant 0 : i32
      %dma_wait3A_914 = tpu.memref_slice %arg5[%dma_wait3A_899, %dma_wait3A_912, %dma_wait3A_913] : memref<2x2x128xi32, #tpu.memory_space<vmem>> -> memref<1x2x128xi32, #tpu.memory_space<vmem>>
      %dma_wait3A_915 = tpu.memref_squeeze %dma_wait3A_914 : memref<1x2x128xi32, #tpu.memory_space<vmem>> -> memref<2x128xi32, #tpu.memory_space<vmem>>
      %dma_wait3A_916 = arith.constant 0 : i32
      %dma_wait3A_917 = tpu.memref_slice %dma_wait3A_915[%dma_wait3A_900, %dma_wait3A_916] : memref<2x128xi32, #tpu.memory_space<vmem>> -> memref<1x128xi32, #tpu.memory_space<vmem>>
      %dma_wait3A_918 = tpu.memref_squeeze %dma_wait3A_917 : memref<1x128xi32, #tpu.memory_space<vmem>> -> memref<128xi32, #tpu.memory_space<vmem>>
      %dma_wait3A_919 = arith.constant 0 : i32
      %dma_wait3A_920 = arith.constant 0 : i32
      %dma_wait3A_921 = tpu.memref_slice %arg2[%dma_wait3A_919, %dma_wait3A_920] : memref<1000000x128xf32, #tpu.memory_space<hbm>> -> memref<1000000x128xf32, #tpu.memory_space<hbm>>
      tpu.wait_indirect_dma semaphore(%arg9 : memref<!tpu.dma_semaphore, #tpu.memory_space<semaphore_mem>>) src(%dma_wait3A_921 : memref<1000000x128xf32, #tpu.memory_space<hbm>>) dst(%dma_wait3A_911 : memref<128x128xf32, #tpu.memory_space<vmem>>)
      %add3A_922 = arith.constant 1 : i32
      %add3A_923 = arith.addi %add3A_799, %add3A_922 : i32
      %mul3A_924 = arith.constant 2 : i32
      %mul3A_925 = arith.muli %add3A_923, %mul3A_924 : i32
      %add3A_926 = arith.addi %mul3A_2, %mul3A_925 : i32
      %dma_start3A_927 = arith.constant 0 : i32
      %dma_start3A_928 = arith.constant 0 : i32
      %dma_start3A_929 = arith.constant 0 : i32
      %dma_start3A_930 = tpu.memref_slice %arg5[%dma_start3A_927, %dma_start3A_928, %dma_start3A_929] : memref<2x2x128xi32, #tpu.memory_space<vmem>> -> memref<1x2x128xi32, #tpu.memory_space<vmem>>
      %dma_start3A_931 = tpu.memref_squeeze %dma_start3A_930 : memref<1x2x128xi32, #tpu.memory_space<vmem>> -> memref<2x128xi32, #tpu.memory_space<vmem>>
      %dma_start3A_932 = arith.constant 0 : i32
      %dma_start3A_933 = tpu.memref_slice %arg3[%add3A_926, %dma_start3A_932] : memref<25600x128xi32, #tpu.memory_space<hbm>> -> memref<2x128xi32, #tpu.memory_space<hbm>>
      %dma_start3A_934 = arith.constant 0 : i32
      %dma_start3A_935 = arith.constant 0 : i32
      %dma_start3A_936 = tpu.memref_slice %arg5[%dma_start3A_927, %dma_start3A_934, %dma_start3A_935] : memref<2x2x128xi32, #tpu.memory_space<vmem>> -> memref<1x2x128xi32, #tpu.memory_space<vmem>>
      %dma_start3A_937 = tpu.memref_squeeze %dma_start3A_936 : memref<1x2x128xi32, #tpu.memory_space<vmem>> -> memref<2x128xi32, #tpu.memory_space<vmem>>
      %dma_start3A_938 = arith.constant 0 : i32
      %dma_start3A_939 = tpu.memref_slice %arg3[%add3A_926, %dma_start3A_938] : memref<25600x128xi32, #tpu.memory_space<hbm>> -> memref<2x128xi32, #tpu.memory_space<hbm>>
      tpu.enqueue_dma source(%dma_start3A_939 : memref<2x128xi32, #tpu.memory_space<hbm>>) target(%dma_start3A_937 : memref<2x128xi32, #tpu.memory_space<vmem>>) target_semaphore(%arg7 : memref<!tpu.dma_semaphore, #tpu.memory_space<semaphore_mem>>)
      %sub3A_940 = arith.constant 1 : i32
      %sub3A_941 = arith.subi %add3A_799, %sub3A_940 : i32
      %mul3A_942 = arith.constant 2 : i32
      %mul3A_943 = arith.muli %sub3A_941, %mul3A_942 : i32
      %add3A_944 = arith.addi %mul3A_2, %mul3A_943 : i32
      %dma_start3A_945 = arith.constant 0 : i32
      %dma_start3A_946 = arith.constant 0 : i32
      %dma_start3A_947 = arith.constant 0 : i32
      %dma_start3A_948 = arith.constant 0 : i32
      %dma_start3A_949 = tpu.memref_slice %arg6[%dma_start3A_945, %dma_start3A_946, %dma_start3A_947, %dma_start3A_948] : memref<2x2x128x128xf32, #tpu.memory_space<vmem>> -> memref<1x2x128x128xf32, #tpu.memory_space<vmem>>
      %dma_start3A_950 = tpu.memref_squeeze %dma_start3A_949 : memref<1x2x128x128xf32, #tpu.memory_space<vmem>> -> memref<2x128x128xf32, #tpu.memory_space<vmem>>
      %dma_start3A_951 = arith.constant 0 : i32
      %dma_start3A_952 = arith.constant 0 : i32
      %dma_start3A_953 = tpu.memref_slice %arg4[%add3A_944, %dma_start3A_951, %dma_start3A_952] : memref<25600x128x128xf32, #tpu.memory_space<hbm>> -> memref<2x128x128xf32, #tpu.memory_space<hbm>>
      %dma_start3A_954 = arith.constant 0 : i32
      %dma_start3A_955 = arith.constant 0 : i32
      %dma_start3A_956 = tpu.memref_slice %arg4[%add3A_944, %dma_start3A_954, %dma_start3A_955] : memref<25600x128x128xf32, #tpu.memory_space<hbm>> -> memref<2x128x128xf32, #tpu.memory_space<hbm>>
      %dma_start3A_957 = arith.constant 0 : i32
      %dma_start3A_958 = arith.constant 0 : i32
      %dma_start3A_959 = arith.constant 0 : i32
      %dma_start3A_960 = tpu.memref_slice %arg6[%dma_start3A_945, %dma_start3A_957, %dma_start3A_958, %dma_start3A_959] : memref<2x2x128x128xf32, #tpu.memory_space<vmem>> -> memref<1x2x128x128xf32, #tpu.memory_space<vmem>>
      %dma_start3A_961 = tpu.memref_squeeze %dma_start3A_960 : memref<1x2x128x128xf32, #tpu.memory_space<vmem>> -> memref<2x128x128xf32, #tpu.memory_space<vmem>>
      tpu.enqueue_dma source(%dma_start3A_961 : memref<2x128x128xf32, #tpu.memory_space<vmem>>) target(%dma_start3A_956 : memref<2x128x128xf32, #tpu.memory_space<hbm>>) target_semaphore(%arg11 : memref<!tpu.dma_semaphore, #tpu.memory_space<semaphore_mem>>)
    }
    %scan3A_233 = arith.constant 198 : i32
    %dma_wait3A_234 = arith.constant 0 : i32
    %dma_wait3A_235 = arith.constant 0 : i32
    %dma_wait3A_236 = arith.constant 0 : i32
    %dma_wait3A_237 = tpu.memref_slice %arg5[%dma_wait3A_234, %dma_wait3A_235, %dma_wait3A_236] : memref<2x2x128xi32, #tpu.memory_space<vmem>> -> memref<1x2x128xi32, #tpu.memory_space<vmem>>
    %dma_wait3A_238 = tpu.memref_squeeze %dma_wait3A_237 : memref<1x2x128xi32, #tpu.memory_space<vmem>> -> memref<2x128xi32, #tpu.memory_space<vmem>>
    %dma_wait3A_239 = arith.constant 0 : i32
    %dma_wait3A_240 = tpu.memref_slice %arg3[%mul3A_2, %dma_wait3A_239] : memref<25600x128xi32, #tpu.memory_space<hbm>> -> memref<2x128xi32, #tpu.memory_space<hbm>>
    %dma_wait3A_241 = arith.constant 0 : i32
    %dma_wait3A_242 = arith.constant 0 : i32
    %dma_wait3A_243 = tpu.memref_slice %arg5[%dma_wait3A_234, %dma_wait3A_241, %dma_wait3A_242] : memref<2x2x128xi32, #tpu.memory_space<vmem>> -> memref<1x2x128xi32, #tpu.memory_space<vmem>>
    %dma_wait3A_244 = tpu.memref_squeeze %dma_wait3A_243 : memref<1x2x128xi32, #tpu.memory_space<vmem>> -> memref<2x128xi32, #tpu.memory_space<vmem>>
    %dma_wait3A_245 = arith.constant 0 : i32
    %dma_wait3A_246 = tpu.memref_slice %arg3[%mul3A_2, %dma_wait3A_245] : memref<25600x128xi32, #tpu.memory_space<hbm>> -> memref<2x128xi32, #tpu.memory_space<hbm>>
    tpu.wait_dma2 semaphore(%arg7 : memref<!tpu.dma_semaphore, #tpu.memory_space<semaphore_mem>>) src(%dma_wait3A_246 : memref<2x128xi32, #tpu.memory_space<hbm>>) dst(%dma_wait3A_244 : memref<2x128xi32, #tpu.memory_space<vmem>>)
    %dma_wait3A_247 = arith.constant 0 : i32
    %dma_wait3A_248 = arith.constant 0 : i32
    %dma_wait3A_249 = arith.constant 0 : i32
    %dma_wait3A_250 = arith.constant 0 : i32
    %dma_wait3A_251 = tpu.memref_slice %arg6[%dma_wait3A_247, %dma_wait3A_248, %dma_wait3A_249, %dma_wait3A_250] : memref<2x2x128x128xf32, #tpu.memory_space<vmem>> -> memref<1x2x128x128xf32, #tpu.memory_space<vmem>>
    %dma_wait3A_252 = tpu.memref_squeeze %dma_wait3A_251 : memref<1x2x128x128xf32, #tpu.memory_space<vmem>> -> memref<2x128x128xf32, #tpu.memory_space<vmem>>
    %dma_wait3A_253 = arith.constant 0 : i32
    %dma_wait3A_254 = arith.constant 0 : i32
    %dma_wait3A_255 = tpu.memref_slice %arg4[%mul3A_2, %dma_wait3A_253, %dma_wait3A_254] : memref<25600x128x128xf32, #tpu.memory_space<hbm>> -> memref<2x128x128xf32, #tpu.memory_space<hbm>>
    %dma_wait3A_256 = arith.constant 0 : i32
    %dma_wait3A_257 = arith.constant 0 : i32
    %dma_wait3A_258 = tpu.memref_slice %arg4[%mul3A_2, %dma_wait3A_256, %dma_wait3A_257] : memref<25600x128x128xf32, #tpu.memory_space<hbm>> -> memref<2x128x128xf32, #tpu.memory_space<hbm>>
    %dma_wait3A_259 = arith.constant 0 : i32
    %dma_wait3A_260 = arith.constant 0 : i32
    %dma_wait3A_261 = arith.constant 0 : i32
    %dma_wait3A_262 = tpu.memref_slice %arg6[%dma_wait3A_247, %dma_wait3A_259, %dma_wait3A_260, %dma_wait3A_261] : memref<2x2x128x128xf32, #tpu.memory_space<vmem>> -> memref<1x2x128x128xf32, #tpu.memory_space<vmem>>
    %dma_wait3A_263 = tpu.memref_squeeze %dma_wait3A_262 : memref<1x2x128x128xf32, #tpu.memory_space<vmem>> -> memref<2x128x128xf32, #tpu.memory_space<vmem>>
    tpu.wait_dma2 semaphore(%arg11 : memref<!tpu.dma_semaphore, #tpu.memory_space<semaphore_mem>>) src(%dma_wait3A_263 : memref<2x128x128xf32, #tpu.memory_space<vmem>>) dst(%dma_wait3A_258 : memref<2x128x128xf32, #tpu.memory_space<hbm>>)
    %dma_start3A_264 = arith.constant 0 : i32
    %dma_start3A_265 = arith.constant 0 : i32
    %dma_start3A_266 = arith.constant 0 : i32
    %dma_start3A_267 = arith.constant 0 : i32
    %dma_start3A_268 = arith.constant 0 : i32
    %dma_start3A_269 = arith.constant 0 : i32
    %dma_start3A_270 = arith.constant 0 : i32
    %dma_start3A_271 = tpu.memref_slice %arg6[%dma_start3A_266, %dma_start3A_268, %dma_start3A_269, %dma_start3A_270] : memref<2x2x128x128xf32, #tpu.memory_space<vmem>> -> memref<1x2x128x128xf32, #tpu.memory_space<vmem>>
    %dma_start3A_272 = tpu.memref_squeeze %dma_start3A_271 : memref<1x2x128x128xf32, #tpu.memory_space<vmem>> -> memref<2x128x128xf32, #tpu.memory_space<vmem>>
    %dma_start3A_273 = arith.constant 0 : i32
    %dma_start3A_274 = arith.constant 0 : i32
    %dma_start3A_275 = tpu.memref_slice %dma_start3A_272[%dma_start3A_267, %dma_start3A_273, %dma_start3A_274] : memref<2x128x128xf32, #tpu.memory_space<vmem>> -> memref<1x128x128xf32, #tpu.memory_space<vmem>>
    %dma_start3A_276 = tpu.memref_squeeze %dma_start3A_275 : memref<1x128x128xf32, #tpu.memory_space<vmem>> -> memref<128x128xf32, #tpu.memory_space<vmem>>
    %dma_start3A_277 = arith.constant 0 : i32
    %dma_start3A_278 = arith.constant 0 : i32
    %dma_start3A_279 = tpu.memref_slice %arg5[%dma_start3A_264, %dma_start3A_277, %dma_start3A_278] : memref<2x2x128xi32, #tpu.memory_space<vmem>> -> memref<1x2x128xi32, #tpu.memory_space<vmem>>
    %dma_start3A_280 = tpu.memref_squeeze %dma_start3A_279 : memref<1x2x128xi32, #tpu.memory_space<vmem>> -> memref<2x128xi32, #tpu.memory_space<vmem>>
    %dma_start3A_281 = arith.constant 0 : i32
    %dma_start3A_282 = tpu.memref_slice %dma_start3A_280[%dma_start3A_265, %dma_start3A_281] : memref<2x128xi32, #tpu.memory_space<vmem>> -> memref<1x128xi32, #tpu.memory_space<vmem>>
    %dma_start3A_283 = tpu.memref_squeeze %dma_start3A_282 : memref<1x128xi32, #tpu.memory_space<vmem>> -> memref<128xi32, #tpu.memory_space<vmem>>
    %dma_start3A_284 = arith.constant 0 : i32
    %dma_start3A_285 = arith.constant 0 : i32
    %dma_start3A_286 = tpu.memref_slice %arg2[%dma_start3A_284, %dma_start3A_285] : memref<1000000x128xf32, #tpu.memory_space<hbm>> -> memref<1000000x128xf32, #tpu.memory_space<hbm>>
    tpu.enqueue_indirect_dma source(%dma_start3A_286 : memref<1000000x128xf32, #tpu.memory_space<hbm>>) target(%dma_start3A_276 : memref<128x128xf32, #tpu.memory_space<vmem>>) offsets(%dma_start3A_283 : memref<128xi32, #tpu.memory_space<vmem>>) semaphore(%arg9 : memref<!tpu.dma_semaphore, #tpu.memory_space<semaphore_mem>>)
    %dma_start3A_287 = arith.constant 0 : i32
    %dma_start3A_288 = arith.constant 1 : i32
    %dma_start3A_289 = arith.constant 0 : i32
    %dma_start3A_290 = arith.constant 1 : i32
    %dma_start3A_291 = arith.constant 0 : i32
    %dma_start3A_292 = arith.constant 0 : i32
    %dma_start3A_293 = arith.constant 0 : i32
    %dma_start3A_294 = tpu.memref_slice %arg6[%dma_start3A_289, %dma_start3A_291, %dma_start3A_292, %dma_start3A_293] : memref<2x2x128x128xf32, #tpu.memory_space<vmem>> -> memref<1x2x128x128xf32, #tpu.memory_space<vmem>>
    %dma_start3A_295 = tpu.memref_squeeze %dma_start3A_294 : memref<1x2x128x128xf32, #tpu.memory_space<vmem>> -> memref<2x128x128xf32, #tpu.memory_space<vmem>>
    %dma_start3A_296 = arith.constant 0 : i32
    %dma_start3A_297 = arith.constant 0 : i32
    %dma_start3A_298 = tpu.memref_slice %dma_start3A_295[%dma_start3A_290, %dma_start3A_296, %dma_start3A_297] : memref<2x128x128xf32, #tpu.memory_space<vmem>> -> memref<1x128x128xf32, #tpu.memory_space<vmem>>
    %dma_start3A_299 = tpu.memref_squeeze %dma_start3A_298 : memref<1x128x128xf32, #tpu.memory_space<vmem>> -> memref<128x128xf32, #tpu.memory_space<vmem>>
    %dma_start3A_300 = arith.constant 0 : i32
    %dma_start3A_301 = arith.constant 0 : i32
    %dma_start3A_302 = tpu.memref_slice %arg5[%dma_start3A_287, %dma_start3A_300, %dma_start3A_301] : memref<2x2x128xi32, #tpu.memory_space<vmem>> -> memref<1x2x128xi32, #tpu.memory_space<vmem>>
    %dma_start3A_303 = tpu.memref_squeeze %dma_start3A_302 : memref<1x2x128xi32, #tpu.memory_space<vmem>> -> memref<2x128xi32, #tpu.memory_space<vmem>>
    %dma_start3A_304 = arith.constant 0 : i32
    %dma_start3A_305 = tpu.memref_slice %dma_start3A_303[%dma_start3A_288, %dma_start3A_304] : memref<2x128xi32, #tpu.memory_space<vmem>> -> memref<1x128xi32, #tpu.memory_space<vmem>>
    %dma_start3A_306 = tpu.memref_squeeze %dma_start3A_305 : memref<1x128xi32, #tpu.memory_space<vmem>> -> memref<128xi32, #tpu.memory_space<vmem>>
    %dma_start3A_307 = arith.constant 0 : i32
    %dma_start3A_308 = arith.constant 0 : i32
    %dma_start3A_309 = tpu.memref_slice %arg2[%dma_start3A_307, %dma_start3A_308] : memref<1000000x128xf32, #tpu.memory_space<hbm>> -> memref<1000000x128xf32, #tpu.memory_space<hbm>>
    tpu.enqueue_indirect_dma source(%dma_start3A_309 : memref<1000000x128xf32, #tpu.memory_space<hbm>>) target(%dma_start3A_299 : memref<128x128xf32, #tpu.memory_space<vmem>>) offsets(%dma_start3A_306 : memref<128xi32, #tpu.memory_space<vmem>>) semaphore(%arg9 : memref<!tpu.dma_semaphore, #tpu.memory_space<semaphore_mem>>)
    %dma_wait3A_310 = arith.constant 1 : i32
    %dma_wait3A_311 = arith.constant 0 : i32
    %dma_wait3A_312 = arith.constant 1 : i32
    %dma_wait3A_313 = arith.constant 0 : i32
    %dma_wait3A_314 = arith.constant 0 : i32
    %dma_wait3A_315 = arith.constant 0 : i32
    %dma_wait3A_316 = arith.constant 0 : i32
    %dma_wait3A_317 = tpu.memref_slice %arg6[%dma_wait3A_312, %dma_wait3A_314, %dma_wait3A_315, %dma_wait3A_316] : memref<2x2x128x128xf32, #tpu.memory_space<vmem>> -> memref<1x2x128x128xf32, #tpu.memory_space<vmem>>
    %dma_wait3A_318 = tpu.memref_squeeze %dma_wait3A_317 : memref<1x2x128x128xf32, #tpu.memory_space<vmem>> -> memref<2x128x128xf32, #tpu.memory_space<vmem>>
    %dma_wait3A_319 = arith.constant 0 : i32
    %dma_wait3A_320 = arith.constant 0 : i32
    %dma_wait3A_321 = tpu.memref_slice %dma_wait3A_318[%dma_wait3A_313, %dma_wait3A_319, %dma_wait3A_320] : memref<2x128x128xf32, #tpu.memory_space<vmem>> -> memref<1x128x128xf32, #tpu.memory_space<vmem>>
    %dma_wait3A_322 = tpu.memref_squeeze %dma_wait3A_321 : memref<1x128x128xf32, #tpu.memory_space<vmem>> -> memref<128x128xf32, #tpu.memory_space<vmem>>
    %dma_wait3A_323 = arith.constant 0 : i32
    %dma_wait3A_324 = arith.constant 0 : i32
    %dma_wait3A_325 = tpu.memref_slice %arg5[%dma_wait3A_310, %dma_wait3A_323, %dma_wait3A_324] : memref<2x2x128xi32, #tpu.memory_space<vmem>> -> memref<1x2x128xi32, #tpu.memory_space<vmem>>
    %dma_wait3A_326 = tpu.memref_squeeze %dma_wait3A_325 : memref<1x2x128xi32, #tpu.memory_space<vmem>> -> memref<2x128xi32, #tpu.memory_space<vmem>>
    %dma_wait3A_327 = arith.constant 0 : i32
    %dma_wait3A_328 = tpu.memref_slice %dma_wait3A_326[%dma_wait3A_311, %dma_wait3A_327] : memref<2x128xi32, #tpu.memory_space<vmem>> -> memref<1x128xi32, #tpu.memory_space<vmem>>
    %dma_wait3A_329 = tpu.memref_squeeze %dma_wait3A_328 : memref<1x128xi32, #tpu.memory_space<vmem>> -> memref<128xi32, #tpu.memory_space<vmem>>
    %dma_wait3A_330 = arith.constant 0 : i32
    %dma_wait3A_331 = arith.constant 0 : i32
    %dma_wait3A_332 = tpu.memref_slice %arg2[%dma_wait3A_330, %dma_wait3A_331] : memref<1000000x128xf32, #tpu.memory_space<hbm>> -> memref<1000000x128xf32, #tpu.memory_space<hbm>>
    tpu.wait_indirect_dma semaphore(%arg10 : memref<!tpu.dma_semaphore, #tpu.memory_space<semaphore_mem>>) src(%dma_wait3A_332 : memref<1000000x128xf32, #tpu.memory_space<hbm>>) dst(%dma_wait3A_322 : memref<128x128xf32, #tpu.memory_space<vmem>>)
    %dma_wait3A_333 = arith.constant 1 : i32
    %dma_wait3A_334 = arith.constant 1 : i32
    %dma_wait3A_335 = arith.constant 1 : i32
    %dma_wait3A_336 = arith.constant 1 : i32
    %dma_wait3A_337 = arith.constant 0 : i32
    %dma_wait3A_338 = arith.constant 0 : i32
    %dma_wait3A_339 = arith.constant 0 : i32
    %dma_wait3A_340 = tpu.memref_slice %arg6[%dma_wait3A_335, %dma_wait3A_337, %dma_wait3A_338, %dma_wait3A_339] : memref<2x2x128x128xf32, #tpu.memory_space<vmem>> -> memref<1x2x128x128xf32, #tpu.memory_space<vmem>>
    %dma_wait3A_341 = tpu.memref_squeeze %dma_wait3A_340 : memref<1x2x128x128xf32, #tpu.memory_space<vmem>> -> memref<2x128x128xf32, #tpu.memory_space<vmem>>
    %dma_wait3A_342 = arith.constant 0 : i32
    %dma_wait3A_343 = arith.constant 0 : i32
    %dma_wait3A_344 = tpu.memref_slice %dma_wait3A_341[%dma_wait3A_336, %dma_wait3A_342, %dma_wait3A_343] : memref<2x128x128xf32, #tpu.memory_space<vmem>> -> memref<1x128x128xf32, #tpu.memory_space<vmem>>
    %dma_wait3A_345 = tpu.memref_squeeze %dma_wait3A_344 : memref<1x128x128xf32, #tpu.memory_space<vmem>> -> memref<128x128xf32, #tpu.memory_space<vmem>>
    %dma_wait3A_346 = arith.constant 0 : i32
    %dma_wait3A_347 = arith.constant 0 : i32
    %dma_wait3A_348 = tpu.memref_slice %arg5[%dma_wait3A_333, %dma_wait3A_346, %dma_wait3A_347] : memref<2x2x128xi32, #tpu.memory_space<vmem>> -> memref<1x2x128xi32, #tpu.memory_space<vmem>>
    %dma_wait3A_349 = tpu.memref_squeeze %dma_wait3A_348 : memref<1x2x128xi32, #tpu.memory_space<vmem>> -> memref<2x128xi32, #tpu.memory_space<vmem>>
    %dma_wait3A_350 = arith.constant 0 : i32
    %dma_wait3A_351 = tpu.memref_slice %dma_wait3A_349[%dma_wait3A_334, %dma_wait3A_350] : memref<2x128xi32, #tpu.memory_space<vmem>> -> memref<1x128xi32, #tpu.memory_space<vmem>>
    %dma_wait3A_352 = tpu.memref_squeeze %dma_wait3A_351 : memref<1x128xi32, #tpu.memory_space<vmem>> -> memref<128xi32, #tpu.memory_space<vmem>>
    %dma_wait3A_353 = arith.constant 0 : i32
    %dma_wait3A_354 = arith.constant 0 : i32
    %dma_wait3A_355 = tpu.memref_slice %arg2[%dma_wait3A_353, %dma_wait3A_354] : memref<1000000x128xf32, #tpu.memory_space<hbm>> -> memref<1000000x128xf32, #tpu.memory_space<hbm>>
    tpu.wait_indirect_dma semaphore(%arg10 : memref<!tpu.dma_semaphore, #tpu.memory_space<semaphore_mem>>) src(%dma_wait3A_355 : memref<1000000x128xf32, #tpu.memory_space<hbm>>) dst(%dma_wait3A_345 : memref<128x128xf32, #tpu.memory_space<vmem>>)
    %add3A_356 = arith.constant 798 : i32
    %add3A_357 = arith.addi %mul3A_2, %add3A_356 : i32
    %dma_start3A_358 = arith.constant 1 : i32
    %dma_start3A_359 = arith.constant 0 : i32
    %dma_start3A_360 = arith.constant 0 : i32
    %dma_start3A_361 = tpu.memref_slice %arg5[%dma_start3A_358, %dma_start3A_359, %dma_start3A_360] : memref<2x2x128xi32, #tpu.memory_space<vmem>> -> memref<1x2x128xi32, #tpu.memory_space<vmem>>
    %dma_start3A_362 = tpu.memref_squeeze %dma_start3A_361 : memref<1x2x128xi32, #tpu.memory_space<vmem>> -> memref<2x128xi32, #tpu.memory_space<vmem>>
    %dma_start3A_363 = arith.constant 0 : i32
    %dma_start3A_364 = tpu.memref_slice %arg3[%add3A_357, %dma_start3A_363] : memref<25600x128xi32, #tpu.memory_space<hbm>> -> memref<2x128xi32, #tpu.memory_space<hbm>>
    %dma_start3A_365 = arith.constant 0 : i32
    %dma_start3A_366 = arith.constant 0 : i32
    %dma_start3A_367 = tpu.memref_slice %arg5[%dma_start3A_358, %dma_start3A_365, %dma_start3A_366] : memref<2x2x128xi32, #tpu.memory_space<vmem>> -> memref<1x2x128xi32, #tpu.memory_space<vmem>>
    %dma_start3A_368 = tpu.memref_squeeze %dma_start3A_367 : memref<1x2x128xi32, #tpu.memory_space<vmem>> -> memref<2x128xi32, #tpu.memory_space<vmem>>
    %dma_start3A_369 = arith.constant 0 : i32
    %dma_start3A_370 = tpu.memref_slice %arg3[%add3A_357, %dma_start3A_369] : memref<25600x128xi32, #tpu.memory_space<hbm>> -> memref<2x128xi32, #tpu.memory_space<hbm>>
    tpu.enqueue_dma source(%dma_start3A_370 : memref<2x128xi32, #tpu.memory_space<hbm>>) target(%dma_start3A_368 : memref<2x128xi32, #tpu.memory_space<vmem>>) target_semaphore(%arg8 : memref<!tpu.dma_semaphore, #tpu.memory_space<semaphore_mem>>)
    %add3A_371 = arith.constant 794 : i32
    %add3A_372 = arith.addi %mul3A_2, %add3A_371 : i32
    %dma_start3A_373 = arith.constant 1 : i32
    %dma_start3A_374 = arith.constant 0 : i32
    %dma_start3A_375 = arith.constant 0 : i32
    %dma_start3A_376 = arith.constant 0 : i32
    %dma_start3A_377 = tpu.memref_slice %arg6[%dma_start3A_373, %dma_start3A_374, %dma_start3A_375, %dma_start3A_376] : memref<2x2x128x128xf32, #tpu.memory_space<vmem>> -> memref<1x2x128x128xf32, #tpu.memory_space<vmem>>
    %dma_start3A_378 = tpu.memref_squeeze %dma_start3A_377 : memref<1x2x128x128xf32, #tpu.memory_space<vmem>> -> memref<2x128x128xf32, #tpu.memory_space<vmem>>
    %dma_start3A_379 = arith.constant 0 : i32
    %dma_start3A_380 = arith.constant 0 : i32
    %dma_start3A_381 = tpu.memref_slice %arg4[%add3A_372, %dma_start3A_379, %dma_start3A_380] : memref<25600x128x128xf32, #tpu.memory_space<hbm>> -> memref<2x128x128xf32, #tpu.memory_space<hbm>>
    %dma_start3A_382 = arith.constant 0 : i32
    %dma_start3A_383 = arith.constant 0 : i32
    %dma_start3A_384 = tpu.memref_slice %arg4[%add3A_372, %dma_start3A_382, %dma_start3A_383] : memref<25600x128x128xf32, #tpu.memory_space<hbm>> -> memref<2x128x128xf32, #tpu.memory_space<hbm>>
    %dma_start3A_385 = arith.constant 0 : i32
    %dma_start3A_386 = arith.constant 0 : i32
    %dma_start3A_387 = arith.constant 0 : i32
    %dma_start3A_388 = tpu.memref_slice %arg6[%dma_start3A_373, %dma_start3A_385, %dma_start3A_386, %dma_start3A_387] : memref<2x2x128x128xf32, #tpu.memory_space<vmem>> -> memref<1x2x128x128xf32, #tpu.memory_space<vmem>>
    %dma_start3A_389 = tpu.memref_squeeze %dma_start3A_388 : memref<1x2x128x128xf32, #tpu.memory_space<vmem>> -> memref<2x128x128xf32, #tpu.memory_space<vmem>>
    tpu.enqueue_dma source(%dma_start3A_389 : memref<2x128x128xf32, #tpu.memory_space<vmem>>) target(%dma_start3A_384 : memref<2x128x128xf32, #tpu.memory_space<hbm>>) target_semaphore(%arg12 : memref<!tpu.dma_semaphore, #tpu.memory_space<semaphore_mem>>)
    %dma_wait3A_390 = arith.constant 1 : i32
    %dma_wait3A_391 = arith.constant 0 : i32
    %dma_wait3A_392 = arith.constant 0 : i32
    %dma_wait3A_393 = tpu.memref_slice %arg5[%dma_wait3A_390, %dma_wait3A_391, %dma_wait3A_392] : memref<2x2x128xi32, #tpu.memory_space<vmem>> -> memref<1x2x128xi32, #tpu.memory_space<vmem>>
    %dma_wait3A_394 = tpu.memref_squeeze %dma_wait3A_393 : memref<1x2x128xi32, #tpu.memory_space<vmem>> -> memref<2x128xi32, #tpu.memory_space<vmem>>
    %dma_wait3A_395 = arith.constant 0 : i32
    %dma_wait3A_396 = tpu.memref_slice %arg3[%mul3A_2, %dma_wait3A_395] : memref<25600x128xi32, #tpu.memory_space<hbm>> -> memref<2x128xi32, #tpu.memory_space<hbm>>
    %dma_wait3A_397 = arith.constant 0 : i32
    %dma_wait3A_398 = arith.constant 0 : i32
    %dma_wait3A_399 = tpu.memref_slice %arg5[%dma_wait3A_390, %dma_wait3A_397, %dma_wait3A_398] : memref<2x2x128xi32, #tpu.memory_space<vmem>> -> memref<1x2x128xi32, #tpu.memory_space<vmem>>
    %dma_wait3A_400 = tpu.memref_squeeze %dma_wait3A_399 : memref<1x2x128xi32, #tpu.memory_space<vmem>> -> memref<2x128xi32, #tpu.memory_space<vmem>>
    %dma_wait3A_401 = arith.constant 0 : i32
    %dma_wait3A_402 = tpu.memref_slice %arg3[%mul3A_2, %dma_wait3A_401] : memref<25600x128xi32, #tpu.memory_space<hbm>> -> memref<2x128xi32, #tpu.memory_space<hbm>>
    tpu.wait_dma2 semaphore(%arg8 : memref<!tpu.dma_semaphore, #tpu.memory_space<semaphore_mem>>) src(%dma_wait3A_402 : memref<2x128xi32, #tpu.memory_space<hbm>>) dst(%dma_wait3A_400 : memref<2x128xi32, #tpu.memory_space<vmem>>)
    %dma_wait3A_403 = arith.constant 1 : i32
    %dma_wait3A_404 = arith.constant 0 : i32
    %dma_wait3A_405 = arith.constant 0 : i32
    %dma_wait3A_406 = arith.constant 0 : i32
    %dma_wait3A_407 = tpu.memref_slice %arg6[%dma_wait3A_403, %dma_wait3A_404, %dma_wait3A_405, %dma_wait3A_406] : memref<2x2x128x128xf32, #tpu.memory_space<vmem>> -> memref<1x2x128x128xf32, #tpu.memory_space<vmem>>
    %dma_wait3A_408 = tpu.memref_squeeze %dma_wait3A_407 : memref<1x2x128x128xf32, #tpu.memory_space<vmem>> -> memref<2x128x128xf32, #tpu.memory_space<vmem>>
    %dma_wait3A_409 = arith.constant 0 : i32
    %dma_wait3A_410 = arith.constant 0 : i32
    %dma_wait3A_411 = tpu.memref_slice %arg4[%mul3A_2, %dma_wait3A_409, %dma_wait3A_410] : memref<25600x128x128xf32, #tpu.memory_space<hbm>> -> memref<2x128x128xf32, #tpu.memory_space<hbm>>
    %dma_wait3A_412 = arith.constant 0 : i32
    %dma_wait3A_413 = arith.constant 0 : i32
    %dma_wait3A_414 = tpu.memref_slice %arg4[%mul3A_2, %dma_wait3A_412, %dma_wait3A_413] : memref<25600x128x128xf32, #tpu.memory_space<hbm>> -> memref<2x128x128xf32, #tpu.memory_space<hbm>>
    %dma_wait3A_415 = arith.constant 0 : i32
    %dma_wait3A_416 = arith.constant 0 : i32
    %dma_wait3A_417 = arith.constant 0 : i32
    %dma_wait3A_418 = tpu.memref_slice %arg6[%dma_wait3A_403, %dma_wait3A_415, %dma_wait3A_416, %dma_wait3A_417] : memref<2x2x128x128xf32, #tpu.memory_space<vmem>> -> memref<1x2x128x128xf32, #tpu.memory_space<vmem>>
    %dma_wait3A_419 = tpu.memref_squeeze %dma_wait3A_418 : memref<1x2x128x128xf32, #tpu.memory_space<vmem>> -> memref<2x128x128xf32, #tpu.memory_space<vmem>>
    tpu.wait_dma2 semaphore(%arg12 : memref<!tpu.dma_semaphore, #tpu.memory_space<semaphore_mem>>) src(%dma_wait3A_419 : memref<2x128x128xf32, #tpu.memory_space<vmem>>) dst(%dma_wait3A_414 : memref<2x128x128xf32, #tpu.memory_space<hbm>>)
    %dma_start3A_420 = arith.constant 1 : i32
    %dma_start3A_421 = arith.constant 0 : i32
    %dma_start3A_422 = arith.constant 1 : i32
    %dma_start3A_423 = arith.constant 0 : i32
    %dma_start3A_424 = arith.constant 0 : i32
    %dma_start3A_425 = arith.constant 0 : i32
    %dma_start3A_426 = arith.constant 0 : i32
    %dma_start3A_427 = tpu.memref_slice %arg6[%dma_start3A_422, %dma_start3A_424, %dma_start3A_425, %dma_start3A_426] : memref<2x2x128x128xf32, #tpu.memory_space<vmem>> -> memref<1x2x128x128xf32, #tpu.memory_space<vmem>>
    %dma_start3A_428 = tpu.memref_squeeze %dma_start3A_427 : memref<1x2x128x128xf32, #tpu.memory_space<vmem>> -> memref<2x128x128xf32, #tpu.memory_space<vmem>>
    %dma_start3A_429 = arith.constant 0 : i32
    %dma_start3A_430 = arith.constant 0 : i32
    %dma_start3A_431 = tpu.memref_slice %dma_start3A_428[%dma_start3A_423, %dma_start3A_429, %dma_start3A_430] : memref<2x128x128xf32, #tpu.memory_space<vmem>> -> memref<1x128x128xf32, #tpu.memory_space<vmem>>
    %dma_start3A_432 = tpu.memref_squeeze %dma_start3A_431 : memref<1x128x128xf32, #tpu.memory_space<vmem>> -> memref<128x128xf32, #tpu.memory_space<vmem>>
    %dma_start3A_433 = arith.constant 0 : i32
    %dma_start3A_434 = arith.constant 0 : i32
    %dma_start3A_435 = tpu.memref_slice %arg5[%dma_start3A_420, %dma_start3A_433, %dma_start3A_434] : memref<2x2x128xi32, #tpu.memory_space<vmem>> -> memref<1x2x128xi32, #tpu.memory_space<vmem>>
    %dma_start3A_436 = tpu.memref_squeeze %dma_start3A_435 : memref<1x2x128xi32, #tpu.memory_space<vmem>> -> memref<2x128xi32, #tpu.memory_space<vmem>>
    %dma_start3A_437 = arith.constant 0 : i32
    %dma_start3A_438 = tpu.memref_slice %dma_start3A_436[%dma_start3A_421, %dma_start3A_437] : memref<2x128xi32, #tpu.memory_space<vmem>> -> memref<1x128xi32, #tpu.memory_space<vmem>>
    %dma_start3A_439 = tpu.memref_squeeze %dma_start3A_438 : memref<1x128xi32, #tpu.memory_space<vmem>> -> memref<128xi32, #tpu.memory_space<vmem>>
    %dma_start3A_440 = arith.constant 0 : i32
    %dma_start3A_441 = arith.constant 0 : i32
    %dma_start3A_442 = tpu.memref_slice %arg2[%dma_start3A_440, %dma_start3A_441] : memref<1000000x128xf32, #tpu.memory_space<hbm>> -> memref<1000000x128xf32, #tpu.memory_space<hbm>>
    tpu.enqueue_indirect_dma source(%dma_start3A_442 : memref<1000000x128xf32, #tpu.memory_space<hbm>>) target(%dma_start3A_432 : memref<128x128xf32, #tpu.memory_space<vmem>>) offsets(%dma_start3A_439 : memref<128xi32, #tpu.memory_space<vmem>>) semaphore(%arg10 : memref<!tpu.dma_semaphore, #tpu.memory_space<semaphore_mem>>)
    %dma_start3A_443 = arith.constant 1 : i32
    %dma_start3A_444 = arith.constant 1 : i32
    %dma_start3A_445 = arith.constant 1 : i32
    %dma_start3A_446 = arith.constant 1 : i32
    %dma_start3A_447 = arith.constant 0 : i32
    %dma_start3A_448 = arith.constant 0 : i32
    %dma_start3A_449 = arith.constant 0 : i32
    %dma_start3A_450 = tpu.memref_slice %arg6[%dma_start3A_445, %dma_start3A_447, %dma_start3A_448, %dma_start3A_449] : memref<2x2x128x128xf32, #tpu.memory_space<vmem>> -> memref<1x2x128x128xf32, #tpu.memory_space<vmem>>
    %dma_start3A_451 = tpu.memref_squeeze %dma_start3A_450 : memref<1x2x128x128xf32, #tpu.memory_space<vmem>> -> memref<2x128x128xf32, #tpu.memory_space<vmem>>
    %dma_start3A_452 = arith.constant 0 : i32
    %dma_start3A_453 = arith.constant 0 : i32
    %dma_start3A_454 = tpu.memref_slice %dma_start3A_451[%dma_start3A_446, %dma_start3A_452, %dma_start3A_453] : memref<2x128x128xf32, #tpu.memory_space<vmem>> -> memref<1x128x128xf32, #tpu.memory_space<vmem>>
    %dma_start3A_455 = tpu.memref_squeeze %dma_start3A_454 : memref<1x128x128xf32, #tpu.memory_space<vmem>> -> memref<128x128xf32, #tpu.memory_space<vmem>>
    %dma_start3A_456 = arith.constant 0 : i32
    %dma_start3A_457 = arith.constant 0 : i32
    %dma_start3A_458 = tpu.memref_slice %arg5[%dma_start3A_443, %dma_start3A_456, %dma_start3A_457] : memref<2x2x128xi32, #tpu.memory_space<vmem>> -> memref<1x2x128xi32, #tpu.memory_space<vmem>>
    %dma_start3A_459 = tpu.memref_squeeze %dma_start3A_458 : memref<1x2x128xi32, #tpu.memory_space<vmem>> -> memref<2x128xi32, #tpu.memory_space<vmem>>
    %dma_start3A_460 = arith.constant 0 : i32
    %dma_start3A_461 = tpu.memref_slice %dma_start3A_459[%dma_start3A_444, %dma_start3A_460] : memref<2x128xi32, #tpu.memory_space<vmem>> -> memref<1x128xi32, #tpu.memory_space<vmem>>
    %dma_start3A_462 = tpu.memref_squeeze %dma_start3A_461 : memref<1x128xi32, #tpu.memory_space<vmem>> -> memref<128xi32, #tpu.memory_space<vmem>>
    %dma_start3A_463 = arith.constant 0 : i32
    %dma_start3A_464 = arith.constant 0 : i32
    %dma_start3A_465 = tpu.memref_slice %arg2[%dma_start3A_463, %dma_start3A_464] : memref<1000000x128xf32, #tpu.memory_space<hbm>> -> memref<1000000x128xf32, #tpu.memory_space<hbm>>
    tpu.enqueue_indirect_dma source(%dma_start3A_465 : memref<1000000x128xf32, #tpu.memory_space<hbm>>) target(%dma_start3A_455 : memref<128x128xf32, #tpu.memory_space<vmem>>) offsets(%dma_start3A_462 : memref<128xi32, #tpu.memory_space<vmem>>) semaphore(%arg10 : memref<!tpu.dma_semaphore, #tpu.memory_space<semaphore_mem>>)
    %dma_wait3A_466 = arith.constant 0 : i32
    %dma_wait3A_467 = arith.constant 0 : i32
    %dma_wait3A_468 = arith.constant 0 : i32
    %dma_wait3A_469 = arith.constant 0 : i32
    %dma_wait3A_470 = arith.constant 0 : i32
    %dma_wait3A_471 = arith.constant 0 : i32
    %dma_wait3A_472 = arith.constant 0 : i32
    %dma_wait3A_473 = tpu.memref_slice %arg6[%dma_wait3A_468, %dma_wait3A_470, %dma_wait3A_471, %dma_wait3A_472] : memref<2x2x128x128xf32, #tpu.memory_space<vmem>> -> memref<1x2x128x128xf32, #tpu.memory_space<vmem>>
    %dma_wait3A_474 = tpu.memref_squeeze %dma_wait3A_473 : memref<1x2x128x128xf32, #tpu.memory_space<vmem>> -> memref<2x128x128xf32, #tpu.memory_space<vmem>>
    %dma_wait3A_475 = arith.constant 0 : i32
    %dma_wait3A_476 = arith.constant 0 : i32
    %dma_wait3A_477 = tpu.memref_slice %dma_wait3A_474[%dma_wait3A_469, %dma_wait3A_475, %dma_wait3A_476] : memref<2x128x128xf32, #tpu.memory_space<vmem>> -> memref<1x128x128xf32, #tpu.memory_space<vmem>>
    %dma_wait3A_478 = tpu.memref_squeeze %dma_wait3A_477 : memref<1x128x128xf32, #tpu.memory_space<vmem>> -> memref<128x128xf32, #tpu.memory_space<vmem>>
    %dma_wait3A_479 = arith.constant 0 : i32
    %dma_wait3A_480 = arith.constant 0 : i32
    %dma_wait3A_481 = tpu.memref_slice %arg5[%dma_wait3A_466, %dma_wait3A_479, %dma_wait3A_480] : memref<2x2x128xi32, #tpu.memory_space<vmem>> -> memref<1x2x128xi32, #tpu.memory_space<vmem>>
    %dma_wait3A_482 = tpu.memref_squeeze %dma_wait3A_481 : memref<1x2x128xi32, #tpu.memory_space<vmem>> -> memref<2x128xi32, #tpu.memory_space<vmem>>
    %dma_wait3A_483 = arith.constant 0 : i32
    %dma_wait3A_484 = tpu.memref_slice %dma_wait3A_482[%dma_wait3A_467, %dma_wait3A_483] : memref<2x128xi32, #tpu.memory_space<vmem>> -> memref<1x128xi32, #tpu.memory_space<vmem>>
    %dma_wait3A_485 = tpu.memref_squeeze %dma_wait3A_484 : memref<1x128xi32, #tpu.memory_space<vmem>> -> memref<128xi32, #tpu.memory_space<vmem>>
    %dma_wait3A_486 = arith.constant 0 : i32
    %dma_wait3A_487 = arith.constant 0 : i32
    %dma_wait3A_488 = tpu.memref_slice %arg2[%dma_wait3A_486, %dma_wait3A_487] : memref<1000000x128xf32, #tpu.memory_space<hbm>> -> memref<1000000x128xf32, #tpu.memory_space<hbm>>
    tpu.wait_indirect_dma semaphore(%arg9 : memref<!tpu.dma_semaphore, #tpu.memory_space<semaphore_mem>>) src(%dma_wait3A_488 : memref<1000000x128xf32, #tpu.memory_space<hbm>>) dst(%dma_wait3A_478 : memref<128x128xf32, #tpu.memory_space<vmem>>)
    %dma_wait3A_489 = arith.constant 0 : i32
    %dma_wait3A_490 = arith.constant 1 : i32
    %dma_wait3A_491 = arith.constant 0 : i32
    %dma_wait3A_492 = arith.constant 1 : i32
    %dma_wait3A_493 = arith.constant 0 : i32
    %dma_wait3A_494 = arith.constant 0 : i32
    %dma_wait3A_495 = arith.constant 0 : i32
    %dma_wait3A_496 = tpu.memref_slice %arg6[%dma_wait3A_491, %dma_wait3A_493, %dma_wait3A_494, %dma_wait3A_495] : memref<2x2x128x128xf32, #tpu.memory_space<vmem>> -> memref<1x2x128x128xf32, #tpu.memory_space<vmem>>
    %dma_wait3A_497 = tpu.memref_squeeze %dma_wait3A_496 : memref<1x2x128x128xf32, #tpu.memory_space<vmem>> -> memref<2x128x128xf32, #tpu.memory_space<vmem>>
    %dma_wait3A_498 = arith.constant 0 : i32
    %dma_wait3A_499 = arith.constant 0 : i32
    %dma_wait3A_500 = tpu.memref_slice %dma_wait3A_497[%dma_wait3A_492, %dma_wait3A_498, %dma_wait3A_499] : memref<2x128x128xf32, #tpu.memory_space<vmem>> -> memref<1x128x128xf32, #tpu.memory_space<vmem>>
    %dma_wait3A_501 = tpu.memref_squeeze %dma_wait3A_500 : memref<1x128x128xf32, #tpu.memory_space<vmem>> -> memref<128x128xf32, #tpu.memory_space<vmem>>
    %dma_wait3A_502 = arith.constant 0 : i32
    %dma_wait3A_503 = arith.constant 0 : i32
    %dma_wait3A_504 = tpu.memref_slice %arg5[%dma_wait3A_489, %dma_wait3A_502, %dma_wait3A_503] : memref<2x2x128xi32, #tpu.memory_space<vmem>> -> memref<1x2x128xi32, #tpu.memory_space<vmem>>
    %dma_wait3A_505 = tpu.memref_squeeze %dma_wait3A_504 : memref<1x2x128xi32, #tpu.memory_space<vmem>> -> memref<2x128xi32, #tpu.memory_space<vmem>>
    %dma_wait3A_506 = arith.constant 0 : i32
    %dma_wait3A_507 = tpu.memref_slice %dma_wait3A_505[%dma_wait3A_490, %dma_wait3A_506] : memref<2x128xi32, #tpu.memory_space<vmem>> -> memref<1x128xi32, #tpu.memory_space<vmem>>
    %dma_wait3A_508 = tpu.memref_squeeze %dma_wait3A_507 : memref<1x128xi32, #tpu.memory_space<vmem>> -> memref<128xi32, #tpu.memory_space<vmem>>
    %dma_wait3A_509 = arith.constant 0 : i32
    %dma_wait3A_510 = arith.constant 0 : i32
    %dma_wait3A_511 = tpu.memref_slice %arg2[%dma_wait3A_509, %dma_wait3A_510] : memref<1000000x128xf32, #tpu.memory_space<hbm>> -> memref<1000000x128xf32, #tpu.memory_space<hbm>>
    tpu.wait_indirect_dma semaphore(%arg9 : memref<!tpu.dma_semaphore, #tpu.memory_space<semaphore_mem>>) src(%dma_wait3A_511 : memref<1000000x128xf32, #tpu.memory_space<hbm>>) dst(%dma_wait3A_501 : memref<128x128xf32, #tpu.memory_space<vmem>>)
    %add3A_512 = arith.constant 796 : i32
    %add3A_513 = arith.addi %mul3A_2, %add3A_512 : i32
    %dma_start3A_514 = arith.constant 0 : i32
    %dma_start3A_515 = arith.constant 0 : i32
    %dma_start3A_516 = arith.constant 0 : i32
    %dma_start3A_517 = arith.constant 0 : i32
    %dma_start3A_518 = tpu.memref_slice %arg6[%dma_start3A_514, %dma_start3A_515, %dma_start3A_516, %dma_start3A_517] : memref<2x2x128x128xf32, #tpu.memory_space<vmem>> -> memref<1x2x128x128xf32, #tpu.memory_space<vmem>>
    %dma_start3A_519 = tpu.memref_squeeze %dma_start3A_518 : memref<1x2x128x128xf32, #tpu.memory_space<vmem>> -> memref<2x128x128xf32, #tpu.memory_space<vmem>>
    %dma_start3A_520 = arith.constant 0 : i32
    %dma_start3A_521 = arith.constant 0 : i32
    %dma_start3A_522 = tpu.memref_slice %arg4[%add3A_513, %dma_start3A_520, %dma_start3A_521] : memref<25600x128x128xf32, #tpu.memory_space<hbm>> -> memref<2x128x128xf32, #tpu.memory_space<hbm>>
    %dma_start3A_523 = arith.constant 0 : i32
    %dma_start3A_524 = arith.constant 0 : i32
    %dma_start3A_525 = tpu.memref_slice %arg4[%add3A_513, %dma_start3A_523, %dma_start3A_524] : memref<25600x128x128xf32, #tpu.memory_space<hbm>> -> memref<2x128x128xf32, #tpu.memory_space<hbm>>
    %dma_start3A_526 = arith.constant 0 : i32
    %dma_start3A_527 = arith.constant 0 : i32
    %dma_start3A_528 = arith.constant 0 : i32
    %dma_start3A_529 = tpu.memref_slice %arg6[%dma_start3A_514, %dma_start3A_526, %dma_start3A_527, %dma_start3A_528] : memref<2x2x128x128xf32, #tpu.memory_space<vmem>> -> memref<1x2x128x128xf32, #tpu.memory_space<vmem>>
    %dma_start3A_530 = tpu.memref_squeeze %dma_start3A_529 : memref<1x2x128x128xf32, #tpu.memory_space<vmem>> -> memref<2x128x128xf32, #tpu.memory_space<vmem>>
    tpu.enqueue_dma source(%dma_start3A_530 : memref<2x128x128xf32, #tpu.memory_space<vmem>>) target(%dma_start3A_525 : memref<2x128x128xf32, #tpu.memory_space<hbm>>) target_semaphore(%arg11 : memref<!tpu.dma_semaphore, #tpu.memory_space<semaphore_mem>>)
    %dma_wait3A_531 = arith.constant 1 : i32
    %dma_wait3A_532 = arith.constant 0 : i32
    %dma_wait3A_533 = arith.constant 1 : i32
    %dma_wait3A_534 = arith.constant 0 : i32
    %dma_wait3A_535 = arith.constant 0 : i32
    %dma_wait3A_536 = arith.constant 0 : i32
    %dma_wait3A_537 = arith.constant 0 : i32
    %dma_wait3A_538 = tpu.memref_slice %arg6[%dma_wait3A_533, %dma_wait3A_535, %dma_wait3A_536, %dma_wait3A_537] : memref<2x2x128x128xf32, #tpu.memory_space<vmem>> -> memref<1x2x128x128xf32, #tpu.memory_space<vmem>>
    %dma_wait3A_539 = tpu.memref_squeeze %dma_wait3A_538 : memref<1x2x128x128xf32, #tpu.memory_space<vmem>> -> memref<2x128x128xf32, #tpu.memory_space<vmem>>
    %dma_wait3A_540 = arith.constant 0 : i32
    %dma_wait3A_541 = arith.constant 0 : i32
    %dma_wait3A_542 = tpu.memref_slice %dma_wait3A_539[%dma_wait3A_534, %dma_wait3A_540, %dma_wait3A_541] : memref<2x128x128xf32, #tpu.memory_space<vmem>> -> memref<1x128x128xf32, #tpu.memory_space<vmem>>
    %dma_wait3A_543 = tpu.memref_squeeze %dma_wait3A_542 : memref<1x128x128xf32, #tpu.memory_space<vmem>> -> memref<128x128xf32, #tpu.memory_space<vmem>>
    %dma_wait3A_544 = arith.constant 0 : i32
    %dma_wait3A_545 = arith.constant 0 : i32
    %dma_wait3A_546 = tpu.memref_slice %arg5[%dma_wait3A_531, %dma_wait3A_544, %dma_wait3A_545] : memref<2x2x128xi32, #tpu.memory_space<vmem>> -> memref<1x2x128xi32, #tpu.memory_space<vmem>>
    %dma_wait3A_547 = tpu.memref_squeeze %dma_wait3A_546 : memref<1x2x128xi32, #tpu.memory_space<vmem>> -> memref<2x128xi32, #tpu.memory_space<vmem>>
    %dma_wait3A_548 = arith.constant 0 : i32
    %dma_wait3A_549 = tpu.memref_slice %dma_wait3A_547[%dma_wait3A_532, %dma_wait3A_548] : memref<2x128xi32, #tpu.memory_space<vmem>> -> memref<1x128xi32, #tpu.memory_space<vmem>>
    %dma_wait3A_550 = tpu.memref_squeeze %dma_wait3A_549 : memref<1x128xi32, #tpu.memory_space<vmem>> -> memref<128xi32, #tpu.memory_space<vmem>>
    %dma_wait3A_551 = arith.constant 0 : i32
    %dma_wait3A_552 = arith.constant 0 : i32
    %dma_wait3A_553 = tpu.memref_slice %arg2[%dma_wait3A_551, %dma_wait3A_552] : memref<1000000x128xf32, #tpu.memory_space<hbm>> -> memref<1000000x128xf32, #tpu.memory_space<hbm>>
    tpu.wait_indirect_dma semaphore(%arg10 : memref<!tpu.dma_semaphore, #tpu.memory_space<semaphore_mem>>) src(%dma_wait3A_553 : memref<1000000x128xf32, #tpu.memory_space<hbm>>) dst(%dma_wait3A_543 : memref<128x128xf32, #tpu.memory_space<vmem>>)
    %dma_wait3A_554 = arith.constant 1 : i32
    %dma_wait3A_555 = arith.constant 1 : i32
    %dma_wait3A_556 = arith.constant 1 : i32
    %dma_wait3A_557 = arith.constant 1 : i32
    %dma_wait3A_558 = arith.constant 0 : i32
    %dma_wait3A_559 = arith.constant 0 : i32
    %dma_wait3A_560 = arith.constant 0 : i32
    %dma_wait3A_561 = tpu.memref_slice %arg6[%dma_wait3A_556, %dma_wait3A_558, %dma_wait3A_559, %dma_wait3A_560] : memref<2x2x128x128xf32, #tpu.memory_space<vmem>> -> memref<1x2x128x128xf32, #tpu.memory_space<vmem>>
    %dma_wait3A_562 = tpu.memref_squeeze %dma_wait3A_561 : memref<1x2x128x128xf32, #tpu.memory_space<vmem>> -> memref<2x128x128xf32, #tpu.memory_space<vmem>>
    %dma_wait3A_563 = arith.constant 0 : i32
    %dma_wait3A_564 = arith.constant 0 : i32
    %dma_wait3A_565 = tpu.memref_slice %dma_wait3A_562[%dma_wait3A_557, %dma_wait3A_563, %dma_wait3A_564] : memref<2x128x128xf32, #tpu.memory_space<vmem>> -> memref<1x128x128xf32, #tpu.memory_space<vmem>>
    %dma_wait3A_566 = tpu.memref_squeeze %dma_wait3A_565 : memref<1x128x128xf32, #tpu.memory_space<vmem>> -> memref<128x128xf32, #tpu.memory_space<vmem>>
    %dma_wait3A_567 = arith.constant 0 : i32
    %dma_wait3A_568 = arith.constant 0 : i32
    %dma_wait3A_569 = tpu.memref_slice %arg5[%dma_wait3A_554, %dma_wait3A_567, %dma_wait3A_568] : memref<2x2x128xi32, #tpu.memory_space<vmem>> -> memref<1x2x128xi32, #tpu.memory_space<vmem>>
    %dma_wait3A_570 = tpu.memref_squeeze %dma_wait3A_569 : memref<1x2x128xi32, #tpu.memory_space<vmem>> -> memref<2x128xi32, #tpu.memory_space<vmem>>
    %dma_wait3A_571 = arith.constant 0 : i32
    %dma_wait3A_572 = tpu.memref_slice %dma_wait3A_570[%dma_wait3A_555, %dma_wait3A_571] : memref<2x128xi32, #tpu.memory_space<vmem>> -> memref<1x128xi32, #tpu.memory_space<vmem>>
    %dma_wait3A_573 = tpu.memref_squeeze %dma_wait3A_572 : memref<1x128xi32, #tpu.memory_space<vmem>> -> memref<128xi32, #tpu.memory_space<vmem>>
    %dma_wait3A_574 = arith.constant 0 : i32
    %dma_wait3A_575 = arith.constant 0 : i32
    %dma_wait3A_576 = tpu.memref_slice %arg2[%dma_wait3A_574, %dma_wait3A_575] : memref<1000000x128xf32, #tpu.memory_space<hbm>> -> memref<1000000x128xf32, #tpu.memory_space<hbm>>
    tpu.wait_indirect_dma semaphore(%arg10 : memref<!tpu.dma_semaphore, #tpu.memory_space<semaphore_mem>>) src(%dma_wait3A_576 : memref<1000000x128xf32, #tpu.memory_space<hbm>>) dst(%dma_wait3A_566 : memref<128x128xf32, #tpu.memory_space<vmem>>)
    %add3A_577 = arith.constant 798 : i32
    %add3A_578 = arith.addi %mul3A_2, %add3A_577 : i32
    %dma_start3A_579 = arith.constant 1 : i32
    %dma_start3A_580 = arith.constant 0 : i32
    %dma_start3A_581 = arith.constant 0 : i32
    %dma_start3A_582 = arith.constant 0 : i32
    %dma_start3A_583 = tpu.memref_slice %arg6[%dma_start3A_579, %dma_start3A_580, %dma_start3A_581, %dma_start3A_582] : memref<2x2x128x128xf32, #tpu.memory_space<vmem>> -> memref<1x2x128x128xf32, #tpu.memory_space<vmem>>
    %dma_start3A_584 = tpu.memref_squeeze %dma_start3A_583 : memref<1x2x128x128xf32, #tpu.memory_space<vmem>> -> memref<2x128x128xf32, #tpu.memory_space<vmem>>
    %dma_start3A_585 = arith.constant 0 : i32
    %dma_start3A_586 = arith.constant 0 : i32
    %dma_start3A_587 = tpu.memref_slice %arg4[%add3A_578, %dma_start3A_585, %dma_start3A_586] : memref<25600x128x128xf32, #tpu.memory_space<hbm>> -> memref<2x128x128xf32, #tpu.memory_space<hbm>>
    %dma_start3A_588 = arith.constant 0 : i32
    %dma_start3A_589 = arith.constant 0 : i32
    %dma_start3A_590 = tpu.memref_slice %arg4[%add3A_578, %dma_start3A_588, %dma_start3A_589] : memref<25600x128x128xf32, #tpu.memory_space<hbm>> -> memref<2x128x128xf32, #tpu.memory_space<hbm>>
    %dma_start3A_591 = arith.constant 0 : i32
    %dma_start3A_592 = arith.constant 0 : i32
    %dma_start3A_593 = arith.constant 0 : i32
    %dma_start3A_594 = tpu.memref_slice %arg6[%dma_start3A_579, %dma_start3A_591, %dma_start3A_592, %dma_start3A_593] : memref<2x2x128x128xf32, #tpu.memory_space<vmem>> -> memref<1x2x128x128xf32, #tpu.memory_space<vmem>>
    %dma_start3A_595 = tpu.memref_squeeze %dma_start3A_594 : memref<1x2x128x128xf32, #tpu.memory_space<vmem>> -> memref<2x128x128xf32, #tpu.memory_space<vmem>>
    tpu.enqueue_dma source(%dma_start3A_595 : memref<2x128x128xf32, #tpu.memory_space<vmem>>) target(%dma_start3A_590 : memref<2x128x128xf32, #tpu.memory_space<hbm>>) target_semaphore(%arg12 : memref<!tpu.dma_semaphore, #tpu.memory_space<semaphore_mem>>)
    %dma_wait3A_596 = arith.constant 0 : i32
    %dma_wait3A_597 = arith.constant 0 : i32
    %dma_wait3A_598 = arith.constant 0 : i32
    %dma_wait3A_599 = arith.constant 0 : i32
    %dma_wait3A_600 = tpu.memref_slice %arg6[%dma_wait3A_596, %dma_wait3A_597, %dma_wait3A_598, %dma_wait3A_599] : memref<2x2x128x128xf32, #tpu.memory_space<vmem>> -> memref<1x2x128x128xf32, #tpu.memory_space<vmem>>
    %dma_wait3A_601 = tpu.memref_squeeze %dma_wait3A_600 : memref<1x2x128x128xf32, #tpu.memory_space<vmem>> -> memref<2x128x128xf32, #tpu.memory_space<vmem>>
    %dma_wait3A_602 = arith.constant 0 : i32
    %dma_wait3A_603 = arith.constant 0 : i32
    %dma_wait3A_604 = tpu.memref_slice %arg4[%mul3A_2, %dma_wait3A_602, %dma_wait3A_603] : memref<25600x128x128xf32, #tpu.memory_space<hbm>> -> memref<2x128x128xf32, #tpu.memory_space<hbm>>
    %dma_wait3A_605 = arith.constant 0 : i32
    %dma_wait3A_606 = arith.constant 0 : i32
    %dma_wait3A_607 = tpu.memref_slice %arg4[%mul3A_2, %dma_wait3A_605, %dma_wait3A_606] : memref<25600x128x128xf32, #tpu.memory_space<hbm>> -> memref<2x128x128xf32, #tpu.memory_space<hbm>>
    %dma_wait3A_608 = arith.constant 0 : i32
    %dma_wait3A_609 = arith.constant 0 : i32
    %dma_wait3A_610 = arith.constant 0 : i32
    %dma_wait3A_611 = tpu.memref_slice %arg6[%dma_wait3A_596, %dma_wait3A_608, %dma_wait3A_609, %dma_wait3A_610] : memref<2x2x128x128xf32, #tpu.memory_space<vmem>> -> memref<1x2x128x128xf32, #tpu.memory_space<vmem>>
    %dma_wait3A_612 = tpu.memref_squeeze %dma_wait3A_611 : memref<1x2x128x128xf32, #tpu.memory_space<vmem>> -> memref<2x128x128xf32, #tpu.memory_space<vmem>>
    tpu.wait_dma2 semaphore(%arg11 : memref<!tpu.dma_semaphore, #tpu.memory_space<semaphore_mem>>) src(%dma_wait3A_612 : memref<2x128x128xf32, #tpu.memory_space<vmem>>) dst(%dma_wait3A_607 : memref<2x128x128xf32, #tpu.memory_space<hbm>>)
    %dma_wait3A_613 = arith.constant 1 : i32
    %dma_wait3A_614 = arith.constant 0 : i32
    %dma_wait3A_615 = arith.constant 0 : i32
    %dma_wait3A_616 = arith.constant 0 : i32
    %dma_wait3A_617 = tpu.memref_slice %arg6[%dma_wait3A_613, %dma_wait3A_614, %dma_wait3A_615, %dma_wait3A_616] : memref<2x2x128x128xf32, #tpu.memory_space<vmem>> -> memref<1x2x128x128xf32, #tpu.memory_space<vmem>>
    %dma_wait3A_618 = tpu.memref_squeeze %dma_wait3A_617 : memref<1x2x128x128xf32, #tpu.memory_space<vmem>> -> memref<2x128x128xf32, #tpu.memory_space<vmem>>
    %dma_wait3A_619 = arith.constant 0 : i32
    %dma_wait3A_620 = arith.constant 0 : i32
    %dma_wait3A_621 = tpu.memref_slice %arg4[%mul3A_2, %dma_wait3A_619, %dma_wait3A_620] : memref<25600x128x128xf32, #tpu.memory_space<hbm>> -> memref<2x128x128xf32, #tpu.memory_space<hbm>>
    %dma_wait3A_622 = arith.constant 0 : i32
    %dma_wait3A_623 = arith.constant 0 : i32
    %dma_wait3A_624 = tpu.memref_slice %arg4[%mul3A_2, %dma_wait3A_622, %dma_wait3A_623] : memref<25600x128x128xf32, #tpu.memory_space<hbm>> -> memref<2x128x128xf32, #tpu.memory_space<hbm>>
    %dma_wait3A_625 = arith.constant 0 : i32
    %dma_wait3A_626 = arith.constant 0 : i32
    %dma_wait3A_627 = arith.constant 0 : i32
    %dma_wait3A_628 = tpu.memref_slice %arg6[%dma_wait3A_613, %dma_wait3A_625, %dma_wait3A_626, %dma_wait3A_627] : memref<2x2x128x128xf32, #tpu.memory_space<vmem>> -> memref<1x2x128x128xf32, #tpu.memory_space<vmem>>
    %dma_wait3A_629 = tpu.memref_squeeze %dma_wait3A_628 : memref<1x2x128x128xf32, #tpu.memory_space<vmem>> -> memref<2x128x128xf32, #tpu.memory_space<vmem>>
    tpu.wait_dma2 semaphore(%arg12 : memref<!tpu.dma_semaphore, #tpu.memory_space<semaphore_mem>>) src(%dma_wait3A_629 : memref<2x128x128xf32, #tpu.memory_space<vmem>>) dst(%dma_wait3A_624 : memref<2x128x128xf32, #tpu.memory_space<hbm>>)
    return
  }
}

module attributes {stable_mosaic.version = 14 : i64} {
  func.func @body(%arg0: i32, %arg1: memref<4000x128xf32, #tpu.memory_space<vmem>>, %arg2: memref<128x128xf32, #tpu.memory_space<vmem>>, %arg3: memref<1000000x128xf32, #tpu.memory_space<hbm>>, %arg4: memref<4000x128xf32, #tpu.memory_space<vmem>>, %arg5: memref<4000x128xf32, #tpu.memory_space<vmem>>, %arg6: memref<4000x128xf32, #tpu.memory_space<vmem>>, %arg7: memref<4000x128xf32, #tpu.memory_space<vmem>>, %arg8: memref<!tpu.dma_semaphore, #tpu.memory_space<semaphore_mem>>, %arg9: memref<!tpu.dma_semaphore, #tpu.memory_space<semaphore_mem>>, %arg10: memref<!tpu.dma_semaphore, #tpu.memory_space<semaphore_mem>>, %arg11: memref<!tpu.dma_semaphore, #tpu.memory_space<semaphore_mem>>) attributes {dimension_semantics = [#tpu.dimension_semantics<arbitrary>], iteration_bounds = array<i64: 5>, scalar_prefetch = 0 : i64, scratch_operands = 8 : i64, tpu.core_type = #tpu.core_type<tc>, window_params = [{transform_indices = @transform_0, window_bounds = array<i64: 4000, 128>}, {transform_indices = @transform_1, window_bounds = array<i64: 128, 128>}, {}]} {
    %rem3A = arith.constant 4 : i32
    %rem3A_0 = arith.remsi %arg0, %rem3A : i32
    %eq3A = arith.constant 0 : i32
    %eq3A_1 = arith.cmpi eq, %rem3A_0, %eq3A : i32
    %convert_element_type3A = arith.extui %eq3A_1 : i1 to i32
    %cond3A = arith.constant 0 : i32
    %cond3A_2 = arith.cmpi ne, %convert_element_type3A, %cond3A : i32
    scf.if %cond3A_2 {
      %ge3A = arith.constant 4 : i32
      %ge3A_29 = arith.cmpi sge, %arg0, %ge3A : i32
      %convert_element_type3A_30 = arith.extui %ge3A_29 : i1 to i32
      %cond3A_31 = arith.constant 0 : i32
      %cond3A_32 = arith.cmpi ne, %convert_element_type3A_30, %cond3A_31 : i32
      scf.if %cond3A_32 {
        %add3A_47 = arith.constant 0 : i32
        %add3A_48 = arith.addi %add3A_47, %arg0 : i32
        %mul3A_49 = arith.constant 4000 : i32
        %mul3A_50 = arith.muli %add3A_48, %mul3A_49 : i32
        %dma_wait3A = arith.constant 0 : i32
        %dma_wait3A_51 = tpu.memref_slice %arg3[%mul3A_50, %dma_wait3A] : memref<1000000x128xf32, #tpu.memory_space<hbm>> -> memref<4000x128xf32, #tpu.memory_space<hbm>>
        tpu.wait_dma2 semaphore(%arg8 : memref<!tpu.dma_semaphore, #tpu.memory_space<semaphore_mem>>) src(%arg4 : memref<4000x128xf32, #tpu.memory_space<vmem>>) dst(%dma_wait3A_51 : memref<4000x128xf32, #tpu.memory_space<hbm>>)
      } else {
      }
      %get3A = arith.constant 0 : index
      %get3A_33 = arith.constant 0 : index
      %get3A_34 = vector.load %arg1[%get3A, %get3A_33] : memref<4000x128xf32, #tpu.memory_space<vmem>>, vector<4000x128xf32>
      %get3A_35 = arith.constant 0 : index
      %get3A_36 = arith.constant 0 : index
      %get3A_37 = vector.load %arg2[%get3A_35, %get3A_36] : memref<128x128xf32, #tpu.memory_space<vmem>>, vector<128x128xf32>
      %dot_general3A = arith.constant dense<0.000000e+00> : vector<4000x128xf32>
      %dot_general3A_38 = tpu.matmul %get3A_34, %get3A_37, %dot_general3A {dimension_numbers = #tpu.dot_dimension_numbers<[1], [0], [0], [1], [0, 0, 1, 1], [], []>, transpose_lhs_hint = false} : vector<4000x128xf32>, vector<128x128xf32>, vector<4000x128xf32> -> vector<4000x128xf32>
      %mul3A = arith.constant 11.3137083 : f32
      %mul3A_39 = vector.broadcast %mul3A : f32 to vector<4000x128xf32>
      %mul3A_40 = arith.mulf %dot_general3A_38, %mul3A_39 : vector<4000x128xf32>
      %swap3A = arith.constant 0 : index
      %swap3A_41 = arith.constant 0 : index
      %swap3A_42 = vector.load %arg4[%swap3A, %swap3A_41] : memref<4000x128xf32, #tpu.memory_space<vmem>>, vector<4000x128xf32>
      tpu.vector_store %arg4[%swap3A, %swap3A_41], %mul3A_40 {strides = array<i32>} : memref<4000x128xf32, #tpu.memory_space<vmem>>, vector<4000x128xf32>,
      %add3A = arith.constant 0 : i32
      %add3A_43 = arith.addi %add3A, %arg0 : i32
      %mul3A_44 = arith.constant 4000 : i32
      %mul3A_45 = arith.muli %add3A_43, %mul3A_44 : i32
      %dma_start3A = arith.constant 0 : i32
      %dma_start3A_46 = tpu.memref_slice %arg3[%mul3A_45, %dma_start3A] : memref<1000000x128xf32, #tpu.memory_space<hbm>> -> memref<4000x128xf32, #tpu.memory_space<hbm>>
      tpu.enqueue_dma source(%arg4 : memref<4000x128xf32, #tpu.memory_space<vmem>>) target(%dma_start3A_46 : memref<4000x128xf32, #tpu.memory_space<hbm>>) target_semaphore(%arg8 : memref<!tpu.dma_semaphore, #tpu.memory_space<semaphore_mem>>)
    } else {
    }
    %rem3A_3 = arith.constant 4 : i32
    %rem3A_4 = arith.remsi %arg0, %rem3A_3 : i32
    %eq3A_5 = arith.constant 1 : i32
    %eq3A_6 = arith.cmpi eq, %rem3A_4, %eq3A_5 : i32
    %convert_element_type3A_7 = arith.extui %eq3A_6 : i1 to i32
    %cond3A_8 = arith.constant 0 : i32
    %cond3A_9 = arith.cmpi ne, %convert_element_type3A_7, %cond3A_8 : i32
    scf.if %cond3A_9 {
      %ge3A = arith.constant 4 : i32
      %ge3A_29 = arith.cmpi sge, %arg0, %ge3A : i32
      %convert_element_type3A_30 = arith.extui %ge3A_29 : i1 to i32
      %cond3A_31 = arith.constant 0 : i32
      %cond3A_32 = arith.cmpi ne, %convert_element_type3A_30, %cond3A_31 : i32
      scf.if %cond3A_32 {
        %add3A_47 = arith.constant 0 : i32
        %add3A_48 = arith.addi %add3A_47, %arg0 : i32
        %mul3A_49 = arith.constant 4000 : i32
        %mul3A_50 = arith.muli %add3A_48, %mul3A_49 : i32
        %dma_wait3A = arith.constant 0 : i32
        %dma_wait3A_51 = tpu.memref_slice %arg3[%mul3A_50, %dma_wait3A] : memref<1000000x128xf32, #tpu.memory_space<hbm>> -> memref<4000x128xf32, #tpu.memory_space<hbm>>
        tpu.wait_dma2 semaphore(%arg9 : memref<!tpu.dma_semaphore, #tpu.memory_space<semaphore_mem>>) src(%arg5 : memref<4000x128xf32, #tpu.memory_space<vmem>>) dst(%dma_wait3A_51 : memref<4000x128xf32, #tpu.memory_space<hbm>>)
      } else {
      }
      %get3A = arith.constant 0 : index
      %get3A_33 = arith.constant 0 : index
      %get3A_34 = vector.load %arg1[%get3A, %get3A_33] : memref<4000x128xf32, #tpu.memory_space<vmem>>, vector<4000x128xf32>
      %get3A_35 = arith.constant 0 : index
      %get3A_36 = arith.constant 0 : index
      %get3A_37 = vector.load %arg2[%get3A_35, %get3A_36] : memref<128x128xf32, #tpu.memory_space<vmem>>, vector<128x128xf32>
      %dot_general3A = arith.constant dense<0.000000e+00> : vector<4000x128xf32>
      %dot_general3A_38 = tpu.matmul %get3A_34, %get3A_37, %dot_general3A {dimension_numbers = #tpu.dot_dimension_numbers<[1], [0], [0], [1], [0, 0, 1, 1], [], []>, transpose_lhs_hint = false} : vector<4000x128xf32>, vector<128x128xf32>, vector<4000x128xf32> -> vector<4000x128xf32>
      %mul3A = arith.constant 11.3137083 : f32
      %mul3A_39 = vector.broadcast %mul3A : f32 to vector<4000x128xf32>
      %mul3A_40 = arith.mulf %dot_general3A_38, %mul3A_39 : vector<4000x128xf32>
      %swap3A = arith.constant 0 : index
      %swap3A_41 = arith.constant 0 : index
      %swap3A_42 = vector.load %arg5[%swap3A, %swap3A_41] : memref<4000x128xf32, #tpu.memory_space<vmem>>, vector<4000x128xf32>
      tpu.vector_store %arg5[%swap3A, %swap3A_41], %mul3A_40 {strides = array<i32>} : memref<4000x128xf32, #tpu.memory_space<vmem>>, vector<4000x128xf32>,
      %add3A = arith.constant 0 : i32
      %add3A_43 = arith.addi %add3A, %arg0 : i32
      %mul3A_44 = arith.constant 4000 : i32
      %mul3A_45 = arith.muli %add3A_43, %mul3A_44 : i32
      %dma_start3A = arith.constant 0 : i32
      %dma_start3A_46 = tpu.memref_slice %arg3[%mul3A_45, %dma_start3A] : memref<1000000x128xf32, #tpu.memory_space<hbm>> -> memref<4000x128xf32, #tpu.memory_space<hbm>>
      tpu.enqueue_dma source(%arg5 : memref<4000x128xf32, #tpu.memory_space<vmem>>) target(%dma_start3A_46 : memref<4000x128xf32, #tpu.memory_space<hbm>>) target_semaphore(%arg9 : memref<!tpu.dma_semaphore, #tpu.memory_space<semaphore_mem>>)
    } else {
    }
    %rem3A_10 = arith.constant 4 : i32
    %rem3A_11 = arith.remsi %arg0, %rem3A_10 : i32
    %eq3A_12 = arith.constant 2 : i32
    %eq3A_13 = arith.cmpi eq, %rem3A_11, %eq3A_12 : i32
    %convert_element_type3A_14 = arith.extui %eq3A_13 : i1 to i32
    %cond3A_15 = arith.constant 0 : i32
    %cond3A_16 = arith.cmpi ne, %convert_element_type3A_14, %cond3A_15 : i32
    scf.if %cond3A_16 {
      %ge3A = arith.constant 4 : i32
      %ge3A_29 = arith.cmpi sge, %arg0, %ge3A : i32
      %convert_element_type3A_30 = arith.extui %ge3A_29 : i1 to i32
      %cond3A_31 = arith.constant 0 : i32
      %cond3A_32 = arith.cmpi ne, %convert_element_type3A_30, %cond3A_31 : i32
      scf.if %cond3A_32 {
        %add3A_47 = arith.constant 0 : i32
        %add3A_48 = arith.addi %add3A_47, %arg0 : i32
        %mul3A_49 = arith.constant 4000 : i32
        %mul3A_50 = arith.muli %add3A_48, %mul3A_49 : i32
        %dma_wait3A = arith.constant 0 : i32
        %dma_wait3A_51 = tpu.memref_slice %arg3[%mul3A_50, %dma_wait3A] : memref<1000000x128xf32, #tpu.memory_space<hbm>> -> memref<4000x128xf32, #tpu.memory_space<hbm>>
        tpu.wait_dma2 semaphore(%arg10 : memref<!tpu.dma_semaphore, #tpu.memory_space<semaphore_mem>>) src(%arg6 : memref<4000x128xf32, #tpu.memory_space<vmem>>) dst(%dma_wait3A_51 : memref<4000x128xf32, #tpu.memory_space<hbm>>)
      } else {
      }
      %get3A = arith.constant 0 : index
      %get3A_33 = arith.constant 0 : index
      %get3A_34 = vector.load %arg1[%get3A, %get3A_33] : memref<4000x128xf32, #tpu.memory_space<vmem>>, vector<4000x128xf32>
      %get3A_35 = arith.constant 0 : index
      %get3A_36 = arith.constant 0 : index
      %get3A_37 = vector.load %arg2[%get3A_35, %get3A_36] : memref<128x128xf32, #tpu.memory_space<vmem>>, vector<128x128xf32>
      %dot_general3A = arith.constant dense<0.000000e+00> : vector<4000x128xf32>
      %dot_general3A_38 = tpu.matmul %get3A_34, %get3A_37, %dot_general3A {dimension_numbers = #tpu.dot_dimension_numbers<[1], [0], [0], [1], [0, 0, 1, 1], [], []>, transpose_lhs_hint = false} : vector<4000x128xf32>, vector<128x128xf32>, vector<4000x128xf32> -> vector<4000x128xf32>
      %mul3A = arith.constant 11.3137083 : f32
      %mul3A_39 = vector.broadcast %mul3A : f32 to vector<4000x128xf32>
      %mul3A_40 = arith.mulf %dot_general3A_38, %mul3A_39 : vector<4000x128xf32>
      %swap3A = arith.constant 0 : index
      %swap3A_41 = arith.constant 0 : index
      %swap3A_42 = vector.load %arg6[%swap3A, %swap3A_41] : memref<4000x128xf32, #tpu.memory_space<vmem>>, vector<4000x128xf32>
      tpu.vector_store %arg6[%swap3A, %swap3A_41], %mul3A_40 {strides = array<i32>} : memref<4000x128xf32, #tpu.memory_space<vmem>>, vector<4000x128xf32>,
      %add3A = arith.constant 0 : i32
      %add3A_43 = arith.addi %add3A, %arg0 : i32
      %mul3A_44 = arith.constant 4000 : i32
      %mul3A_45 = arith.muli %add3A_43, %mul3A_44 : i32
      %dma_start3A = arith.constant 0 : i32
      %dma_start3A_46 = tpu.memref_slice %arg3[%mul3A_45, %dma_start3A] : memref<1000000x128xf32, #tpu.memory_space<hbm>> -> memref<4000x128xf32, #tpu.memory_space<hbm>>
      tpu.enqueue_dma source(%arg6 : memref<4000x128xf32, #tpu.memory_space<vmem>>) target(%dma_start3A_46 : memref<4000x128xf32, #tpu.memory_space<hbm>>) target_semaphore(%arg10 : memref<!tpu.dma_semaphore, #tpu.memory_space<semaphore_mem>>)
    } else {
    }
    %rem3A_17 = arith.constant 4 : i32
    %rem3A_18 = arith.remsi %arg0, %rem3A_17 : i32
    %eq3A_19 = arith.constant 3 : i32
    %eq3A_20 = arith.cmpi eq, %rem3A_18, %eq3A_19 : i32
    %convert_element_type3A_21 = arith.extui %eq3A_20 : i1 to i32
    %cond3A_22 = arith.constant 0 : i32
    %cond3A_23 = arith.cmpi ne, %convert_element_type3A_21, %cond3A_22 : i32
    scf.if %cond3A_23 {
      %ge3A = arith.constant 4 : i32
      %ge3A_29 = arith.cmpi sge, %arg0, %ge3A : i32
      %convert_element_type3A_30 = arith.extui %ge3A_29 : i1 to i32
      %cond3A_31 = arith.constant 0 : i32
      %cond3A_32 = arith.cmpi ne, %convert_element_type3A_30, %cond3A_31 : i32
      scf.if %cond3A_32 {
        %add3A_47 = arith.constant 0 : i32
        %add3A_48 = arith.addi %add3A_47, %arg0 : i32
        %mul3A_49 = arith.constant 4000 : i32
        %mul3A_50 = arith.muli %add3A_48, %mul3A_49 : i32
        %dma_wait3A = arith.constant 0 : i32
        %dma_wait3A_51 = tpu.memref_slice %arg3[%mul3A_50, %dma_wait3A] : memref<1000000x128xf32, #tpu.memory_space<hbm>> -> memref<4000x128xf32, #tpu.memory_space<hbm>>
        tpu.wait_dma2 semaphore(%arg11 : memref<!tpu.dma_semaphore, #tpu.memory_space<semaphore_mem>>) src(%arg7 : memref<4000x128xf32, #tpu.memory_space<vmem>>) dst(%dma_wait3A_51 : memref<4000x128xf32, #tpu.memory_space<hbm>>)
      } else {
      }
      %get3A = arith.constant 0 : index
      %get3A_33 = arith.constant 0 : index
      %get3A_34 = vector.load %arg1[%get3A, %get3A_33] : memref<4000x128xf32, #tpu.memory_space<vmem>>, vector<4000x128xf32>
      %get3A_35 = arith.constant 0 : index
      %get3A_36 = arith.constant 0 : index
      %get3A_37 = vector.load %arg2[%get3A_35, %get3A_36] : memref<128x128xf32, #tpu.memory_space<vmem>>, vector<128x128xf32>
      %dot_general3A = arith.constant dense<0.000000e+00> : vector<4000x128xf32>
      %dot_general3A_38 = tpu.matmul %get3A_34, %get3A_37, %dot_general3A {dimension_numbers = #tpu.dot_dimension_numbers<[1], [0], [0], [1], [0, 0, 1, 1], [], []>, transpose_lhs_hint = false} : vector<4000x128xf32>, vector<128x128xf32>, vector<4000x128xf32> -> vector<4000x128xf32>
      %mul3A = arith.constant 11.3137083 : f32
      %mul3A_39 = vector.broadcast %mul3A : f32 to vector<4000x128xf32>
      %mul3A_40 = arith.mulf %dot_general3A_38, %mul3A_39 : vector<4000x128xf32>
      %swap3A = arith.constant 0 : index
      %swap3A_41 = arith.constant 0 : index
      %swap3A_42 = vector.load %arg7[%swap3A, %swap3A_41] : memref<4000x128xf32, #tpu.memory_space<vmem>>, vector<4000x128xf32>
      tpu.vector_store %arg7[%swap3A, %swap3A_41], %mul3A_40 {strides = array<i32>} : memref<4000x128xf32, #tpu.memory_space<vmem>>, vector<4000x128xf32>,
      %add3A = arith.constant 0 : i32
      %add3A_43 = arith.addi %add3A, %arg0 : i32
      %mul3A_44 = arith.constant 4000 : i32
      %mul3A_45 = arith.muli %add3A_43, %mul3A_44 : i32
      %dma_start3A = arith.constant 0 : i32
      %dma_start3A_46 = tpu.memref_slice %arg3[%mul3A_45, %dma_start3A] : memref<1000000x128xf32, #tpu.memory_space<hbm>> -> memref<4000x128xf32, #tpu.memory_space<hbm>>
      tpu.enqueue_dma source(%arg7 : memref<4000x128xf32, #tpu.memory_space<vmem>>) target(%dma_start3A_46 : memref<4000x128xf32, #tpu.memory_space<hbm>>) target_semaphore(%arg11 : memref<!tpu.dma_semaphore, #tpu.memory_space<semaphore_mem>>)
    } else {
    }
    %eq3A_24 = arith.constant 4 : i32
    %eq3A_25 = arith.cmpi eq, %arg0, %eq3A_24 : i32
    %convert_element_type3A_26 = arith.extui %eq3A_25 : i1 to i32
    %cond3A_27 = arith.constant 0 : i32
    %cond3A_28 = arith.cmpi ne, %convert_element_type3A_26, %cond3A_27 : i32
    scf.if %cond3A_28 {
      %add3A = arith.constant 0 : i32
      %add3A_29 = arith.addi %add3A, %arg0 : i32
      %mul3A = arith.constant 4000 : i32
      %mul3A_30 = arith.muli %add3A_29, %mul3A : i32
      %dma_wait3A = arith.constant 0 : i32
      %dma_wait3A_31 = tpu.memref_slice %arg3[%mul3A_30, %dma_wait3A] : memref<1000000x128xf32, #tpu.memory_space<hbm>> -> memref<4000x128xf32, #tpu.memory_space<hbm>>
      tpu.wait_dma2 semaphore(%arg8 : memref<!tpu.dma_semaphore, #tpu.memory_space<semaphore_mem>>) src(%arg4 : memref<4000x128xf32, #tpu.memory_space<vmem>>) dst(%dma_wait3A_31 : memref<4000x128xf32, #tpu.memory_space<hbm>>)
      %add3A_32 = arith.constant 0 : i32
      %add3A_33 = arith.addi %add3A_32, %arg0 : i32
      %mul3A_34 = arith.constant 4000 : i32
      %mul3A_35 = arith.muli %add3A_33, %mul3A_34 : i32
      %dma_wait3A_36 = arith.constant 0 : i32
      %dma_wait3A_37 = tpu.memref_slice %arg3[%mul3A_35, %dma_wait3A_36] : memref<1000000x128xf32, #tpu.memory_space<hbm>> -> memref<4000x128xf32, #tpu.memory_space<hbm>>
      tpu.wait_dma2 semaphore(%arg9 : memref<!tpu.dma_semaphore, #tpu.memory_space<semaphore_mem>>) src(%arg5 : memref<4000x128xf32, #tpu.memory_space<vmem>>) dst(%dma_wait3A_37 : memref<4000x128xf32, #tpu.memory_space<hbm>>)
      %add3A_38 = arith.constant 0 : i32
      %add3A_39 = arith.addi %add3A_38, %arg0 : i32
      %mul3A_40 = arith.constant 4000 : i32
      %mul3A_41 = arith.muli %add3A_39, %mul3A_40 : i32
      %dma_wait3A_42 = arith.constant 0 : i32
      %dma_wait3A_43 = tpu.memref_slice %arg3[%mul3A_41, %dma_wait3A_42] : memref<1000000x128xf32, #tpu.memory_space<hbm>> -> memref<4000x128xf32, #tpu.memory_space<hbm>>
      tpu.wait_dma2 semaphore(%arg10 : memref<!tpu.dma_semaphore, #tpu.memory_space<semaphore_mem>>) src(%arg6 : memref<4000x128xf32, #tpu.memory_space<vmem>>) dst(%dma_wait3A_43 : memref<4000x128xf32, #tpu.memory_space<hbm>>)
      %add3A_44 = arith.constant 0 : i32
      %add3A_45 = arith.addi %add3A_44, %arg0 : i32
      %mul3A_46 = arith.constant 4000 : i32
      %mul3A_47 = arith.muli %add3A_45, %mul3A_46 : i32
      %dma_wait3A_48 = arith.constant 0 : i32
      %dma_wait3A_49 = tpu.memref_slice %arg3[%mul3A_47, %dma_wait3A_48] : memref<1000000x128xf32, #tpu.memory_space<hbm>> -> memref<4000x128xf32, #tpu.memory_space<hbm>>
      tpu.wait_dma2 semaphore(%arg11 : memref<!tpu.dma_semaphore, #tpu.memory_space<semaphore_mem>>) src(%arg7 : memref<4000x128xf32, #tpu.memory_space<vmem>>) dst(%dma_wait3A_49 : memref<4000x128xf32, #tpu.memory_space<hbm>>)
    } else {
    }
    return
  }
  func.func @transform_0(%arg0: i32) -> (i32, i32) {
    %c0_i32 = arith.constant 0 : i32
    %c0_i32_0 = arith.constant 0 : i32
    return %arg0, %c0_i32 : i32, i32
  }
  func.func @transform_1(%arg0: i32) -> (i32, i32) {
    %c0_i32 = arith.constant 0 : i32
    %c0_i32_0 = arith.constant 0 : i32
    %c0_i32_1 = arith.constant 0 : i32
    return %c0_i32, %c0_i32_0 : i32, i32
  }
}

module attributes {stable_mosaic.version = 14 : i64} {
  func.func @body(%arg0: i32, %arg1: memref<1000000x128xf32, #tpu.memory_space<hbm>>, %arg2: memref<4000x128xf32, #tpu.memory_space<vmem>>, %arg3: memref<128x128xf32, #tpu.memory_space<vmem>>, %arg4: memref<1000000x128xf32, #tpu.memory_space<hbm>>, %arg5: memref<4000x128xf32, #tpu.memory_space<vmem>>, %arg6: memref<4000x128xf32, #tpu.memory_space<vmem>>, %arg7: memref<4000x128xf32, #tpu.memory_space<vmem>>, %arg8: memref<4000x128xf32, #tpu.memory_space<vmem>>, %arg9: memref<!tpu.dma_semaphore, #tpu.memory_space<semaphore_mem>>, %arg10: memref<!tpu.dma_semaphore, #tpu.memory_space<semaphore_mem>>, %arg11: memref<!tpu.dma_semaphore, #tpu.memory_space<semaphore_mem>>, %arg12: memref<!tpu.dma_semaphore, #tpu.memory_space<semaphore_mem>>) attributes {dimension_semantics = [#tpu.dimension_semantics<arbitrary>], iteration_bounds = array<i64: 0>, scalar_prefetch = 0 : i64, scratch_operands = 8 : i64, tpu.core_type = #tpu.core_type<tc>, window_params = [{}, {transform_indices = @transform_1, window_bounds = array<i64: 4000, 128>}, {transform_indices = @transform_2, window_bounds = array<i64: 128, 128>}, {}]} {
    return
  }
  func.func @transform_1(%arg0: i32) -> (i32, i32) {
    %c0_i32 = arith.constant 0 : i32
    %c0_i32_0 = arith.constant 0 : i32
    return %arg0, %c0_i32 : i32, i32
  }
  func.func @transform_2(%arg0: i32) -> (i32, i32) {
    %c0_i32 = arith.constant 0 : i32
    %c0_i32_0 = arith.constant 0 : i32
    %c0_i32_1 = arith.constant 0 : i32
    return %c0_i32, %c0_i32_0 : i32, i32
  }
}

module attributes {stable_mosaic.version = 14 : i64} {
  func.func @body(%arg0: i32, %arg1: memref<1000000x128xf32, #tpu.memory_space<hbm>>, %arg2: memref<4000x32xf32, #tpu.memory_space<vmem>>, %arg3: memref<32x128xf32, #tpu.memory_space<vmem>>, %arg4: memref<1000000x128xf32, #tpu.memory_space<hbm>>, %arg5: memref<4000x128xf32, #tpu.memory_space<vmem>>, %arg6: memref<4000x128xf32, #tpu.memory_space<vmem>>, %arg7: memref<4000x128xf32, #tpu.memory_space<vmem>>, %arg8: memref<4000x128xf32, #tpu.memory_space<vmem>>, %arg9: memref<!tpu.dma_semaphore, #tpu.memory_space<semaphore_mem>>, %arg10: memref<!tpu.dma_semaphore, #tpu.memory_space<semaphore_mem>>, %arg11: memref<!tpu.dma_semaphore, #tpu.memory_space<semaphore_mem>>, %arg12: memref<!tpu.dma_semaphore, #tpu.memory_space<semaphore_mem>>) attributes {dimension_semantics = [#tpu.dimension_semantics<arbitrary>], iteration_bounds = array<i64: 20>, scalar_prefetch = 0 : i64, scratch_operands = 8 : i64, tpu.core_type = #tpu.core_type<tc>, window_params = [{}, {transform_indices = @transform_1, window_bounds = array<i64: 4000, 32>}, {transform_indices = @transform_2, window_bounds = array<i64: 32, 128>}, {}]} {
    %rem3A = arith.constant 4 : i32
    %rem3A_0 = arith.remsi %arg0, %rem3A : i32
    %eq3A = arith.constant 0 : i32
    %eq3A_1 = arith.cmpi eq, %rem3A_0, %eq3A : i32
    %convert_element_type3A = arith.extui %eq3A_1 : i1 to i32
    %cond3A = arith.constant 0 : i32
    %cond3A_2 = arith.cmpi ne, %convert_element_type3A, %cond3A : i32
    scf.if %cond3A_2 {
      %ge3A = arith.constant 4 : i32
      %ge3A_29 = arith.cmpi sge, %arg0, %ge3A : i32
      %convert_element_type3A_30 = arith.extui %ge3A_29 : i1 to i32
      %cond3A_31 = arith.constant 0 : i32
      %cond3A_32 = arith.cmpi ne, %convert_element_type3A_30, %cond3A_31 : i32
      scf.if %cond3A_32 {
        %add3A_47 = arith.constant 25 : i32
        %add3A_48 = arith.addi %add3A_47, %arg0 : i32
        %mul3A_49 = arith.constant 4000 : i32
        %mul3A_50 = arith.muli %add3A_48, %mul3A_49 : i32
        %dma_wait3A = arith.constant 0 : i32
        %dma_wait3A_51 = tpu.memref_slice %arg4[%mul3A_50, %dma_wait3A] : memref<1000000x128xf32, #tpu.memory_space<hbm>> -> memref<4000x128xf32, #tpu.memory_space<hbm>>
        tpu.wait_dma2 semaphore(%arg9 : memref<!tpu.dma_semaphore, #tpu.memory_space<semaphore_mem>>) src(%arg5 : memref<4000x128xf32, #tpu.memory_space<vmem>>) dst(%dma_wait3A_51 : memref<4000x128xf32, #tpu.memory_space<hbm>>)
      } else {
      }
      %get3A = arith.constant 0 : index
      %get3A_33 = arith.constant 0 : index
      %get3A_34 = vector.load %arg2[%get3A, %get3A_33] : memref<4000x32xf32, #tpu.memory_space<vmem>>, vector<4000x32xf32>
      %get3A_35 = arith.constant 0 : index
      %get3A_36 = arith.constant 0 : index
      %get3A_37 = vector.load %arg3[%get3A_35, %get3A_36] : memref<32x128xf32, #tpu.memory_space<vmem>>, vector<32x128xf32>
      %dot_general3A = arith.constant dense<0.000000e+00> : vector<4000x128xf32>
      %dot_general3A_38 = tpu.matmul %get3A_34, %get3A_37, %dot_general3A {dimension_numbers = #tpu.dot_dimension_numbers<[1], [0], [0], [1], [0, 0, 1, 1], [], []>, transpose_lhs_hint = false} : vector<4000x32xf32>, vector<32x128xf32>, vector<4000x128xf32> -> vector<4000x128xf32>
      %mul3A = arith.constant 11.3137083 : f32
      %mul3A_39 = vector.broadcast %mul3A : f32 to vector<4000x128xf32>
      %mul3A_40 = arith.mulf %dot_general3A_38, %mul3A_39 : vector<4000x128xf32>
      %swap3A = arith.constant 0 : index
      %swap3A_41 = arith.constant 0 : index
      %swap3A_42 = vector.load %arg5[%swap3A, %swap3A_41] : memref<4000x128xf32, #tpu.memory_space<vmem>>, vector<4000x128xf32>
      tpu.vector_store %arg5[%swap3A, %swap3A_41], %mul3A_40 {strides = array<i32>} : memref<4000x128xf32, #tpu.memory_space<vmem>>, vector<4000x128xf32>,
      %add3A = arith.constant 25 : i32
      %add3A_43 = arith.addi %add3A, %arg0 : i32
      %mul3A_44 = arith.constant 4000 : i32
      %mul3A_45 = arith.muli %add3A_43, %mul3A_44 : i32
      %dma_start3A = arith.constant 0 : i32
      %dma_start3A_46 = tpu.memref_slice %arg4[%mul3A_45, %dma_start3A] : memref<1000000x128xf32, #tpu.memory_space<hbm>> -> memref<4000x128xf32, #tpu.memory_space<hbm>>
      tpu.enqueue_dma source(%arg5 : memref<4000x128xf32, #tpu.memory_space<vmem>>) target(%dma_start3A_46 : memref<4000x128xf32, #tpu.memory_space<hbm>>) target_semaphore(%arg9 : memref<!tpu.dma_semaphore, #tpu.memory_space<semaphore_mem>>)
    } else {
    }
    %rem3A_3 = arith.constant 4 : i32
    %rem3A_4 = arith.remsi %arg0, %rem3A_3 : i32
    %eq3A_5 = arith.constant 1 : i32
    %eq3A_6 = arith.cmpi eq, %rem3A_4, %eq3A_5 : i32
    %convert_element_type3A_7 = arith.extui %eq3A_6 : i1 to i32
    %cond3A_8 = arith.constant 0 : i32
    %cond3A_9 = arith.cmpi ne, %convert_element_type3A_7, %cond3A_8 : i32
    scf.if %cond3A_9 {
      %ge3A = arith.constant 4 : i32
      %ge3A_29 = arith.cmpi sge, %arg0, %ge3A : i32
      %convert_element_type3A_30 = arith.extui %ge3A_29 : i1 to i32
      %cond3A_31 = arith.constant 0 : i32
      %cond3A_32 = arith.cmpi ne, %convert_element_type3A_30, %cond3A_31 : i32
      scf.if %cond3A_32 {
        %add3A_47 = arith.constant 25 : i32
        %add3A_48 = arith.addi %add3A_47, %arg0 : i32
        %mul3A_49 = arith.constant 4000 : i32
        %mul3A_50 = arith.muli %add3A_48, %mul3A_49 : i32
        %dma_wait3A = arith.constant 0 : i32
        %dma_wait3A_51 = tpu.memref_slice %arg4[%mul3A_50, %dma_wait3A] : memref<1000000x128xf32, #tpu.memory_space<hbm>> -> memref<4000x128xf32, #tpu.memory_space<hbm>>
        tpu.wait_dma2 semaphore(%arg10 : memref<!tpu.dma_semaphore, #tpu.memory_space<semaphore_mem>>) src(%arg6 : memref<4000x128xf32, #tpu.memory_space<vmem>>) dst(%dma_wait3A_51 : memref<4000x128xf32, #tpu.memory_space<hbm>>)
      } else {
      }
      %get3A = arith.constant 0 : index
      %get3A_33 = arith.constant 0 : index
      %get3A_34 = vector.load %arg2[%get3A, %get3A_33] : memref<4000x32xf32, #tpu.memory_space<vmem>>, vector<4000x32xf32>
      %get3A_35 = arith.constant 0 : index
      %get3A_36 = arith.constant 0 : index
      %get3A_37 = vector.load %arg3[%get3A_35, %get3A_36] : memref<32x128xf32, #tpu.memory_space<vmem>>, vector<32x128xf32>
      %dot_general3A = arith.constant dense<0.000000e+00> : vector<4000x128xf32>
      %dot_general3A_38 = tpu.matmul %get3A_34, %get3A_37, %dot_general3A {dimension_numbers = #tpu.dot_dimension_numbers<[1], [0], [0], [1], [0, 0, 1, 1], [], []>, transpose_lhs_hint = false} : vector<4000x32xf32>, vector<32x128xf32>, vector<4000x128xf32> -> vector<4000x128xf32>
      %mul3A = arith.constant 11.3137083 : f32
      %mul3A_39 = vector.broadcast %mul3A : f32 to vector<4000x128xf32>
      %mul3A_40 = arith.mulf %dot_general3A_38, %mul3A_39 : vector<4000x128xf32>
      %swap3A = arith.constant 0 : index
      %swap3A_41 = arith.constant 0 : index
      %swap3A_42 = vector.load %arg6[%swap3A, %swap3A_41] : memref<4000x128xf32, #tpu.memory_space<vmem>>, vector<4000x128xf32>
      tpu.vector_store %arg6[%swap3A, %swap3A_41], %mul3A_40 {strides = array<i32>} : memref<4000x128xf32, #tpu.memory_space<vmem>>, vector<4000x128xf32>,
      %add3A = arith.constant 25 : i32
      %add3A_43 = arith.addi %add3A, %arg0 : i32
      %mul3A_44 = arith.constant 4000 : i32
      %mul3A_45 = arith.muli %add3A_43, %mul3A_44 : i32
      %dma_start3A = arith.constant 0 : i32
      %dma_start3A_46 = tpu.memref_slice %arg4[%mul3A_45, %dma_start3A] : memref<1000000x128xf32, #tpu.memory_space<hbm>> -> memref<4000x128xf32, #tpu.memory_space<hbm>>
      tpu.enqueue_dma source(%arg6 : memref<4000x128xf32, #tpu.memory_space<vmem>>) target(%dma_start3A_46 : memref<4000x128xf32, #tpu.memory_space<hbm>>) target_semaphore(%arg10 : memref<!tpu.dma_semaphore, #tpu.memory_space<semaphore_mem>>)
    } else {
    }
    %rem3A_10 = arith.constant 4 : i32
    %rem3A_11 = arith.remsi %arg0, %rem3A_10 : i32
    %eq3A_12 = arith.constant 2 : i32
    %eq3A_13 = arith.cmpi eq, %rem3A_11, %eq3A_12 : i32
    %convert_element_type3A_14 = arith.extui %eq3A_13 : i1 to i32
    %cond3A_15 = arith.constant 0 : i32
    %cond3A_16 = arith.cmpi ne, %convert_element_type3A_14, %cond3A_15 : i32
    scf.if %cond3A_16 {
      %ge3A = arith.constant 4 : i32
      %ge3A_29 = arith.cmpi sge, %arg0, %ge3A : i32
      %convert_element_type3A_30 = arith.extui %ge3A_29 : i1 to i32
      %cond3A_31 = arith.constant 0 : i32
      %cond3A_32 = arith.cmpi ne, %convert_element_type3A_30, %cond3A_31 : i32
      scf.if %cond3A_32 {
        %add3A_47 = arith.constant 25 : i32
        %add3A_48 = arith.addi %add3A_47, %arg0 : i32
        %mul3A_49 = arith.constant 4000 : i32
        %mul3A_50 = arith.muli %add3A_48, %mul3A_49 : i32
        %dma_wait3A = arith.constant 0 : i32
        %dma_wait3A_51 = tpu.memref_slice %arg4[%mul3A_50, %dma_wait3A] : memref<1000000x128xf32, #tpu.memory_space<hbm>> -> memref<4000x128xf32, #tpu.memory_space<hbm>>
        tpu.wait_dma2 semaphore(%arg11 : memref<!tpu.dma_semaphore, #tpu.memory_space<semaphore_mem>>) src(%arg7 : memref<4000x128xf32, #tpu.memory_space<vmem>>) dst(%dma_wait3A_51 : memref<4000x128xf32, #tpu.memory_space<hbm>>)
      } else {
      }
      %get3A = arith.constant 0 : index
      %get3A_33 = arith.constant 0 : index
      %get3A_34 = vector.load %arg2[%get3A, %get3A_33] : memref<4000x32xf32, #tpu.memory_space<vmem>>, vector<4000x32xf32>
      %get3A_35 = arith.constant 0 : index
      %get3A_36 = arith.constant 0 : index
      %get3A_37 = vector.load %arg3[%get3A_35, %get3A_36] : memref<32x128xf32, #tpu.memory_space<vmem>>, vector<32x128xf32>
      %dot_general3A = arith.constant dense<0.000000e+00> : vector<4000x128xf32>
      %dot_general3A_38 = tpu.matmul %get3A_34, %get3A_37, %dot_general3A {dimension_numbers = #tpu.dot_dimension_numbers<[1], [0], [0], [1], [0, 0, 1, 1], [], []>, transpose_lhs_hint = false} : vector<4000x32xf32>, vector<32x128xf32>, vector<4000x128xf32> -> vector<4000x128xf32>
      %mul3A = arith.constant 11.3137083 : f32
      %mul3A_39 = vector.broadcast %mul3A : f32 to vector<4000x128xf32>
      %mul3A_40 = arith.mulf %dot_general3A_38, %mul3A_39 : vector<4000x128xf32>
      %swap3A = arith.constant 0 : index
      %swap3A_41 = arith.constant 0 : index
      %swap3A_42 = vector.load %arg7[%swap3A, %swap3A_41] : memref<4000x128xf32, #tpu.memory_space<vmem>>, vector<4000x128xf32>
      tpu.vector_store %arg7[%swap3A, %swap3A_41], %mul3A_40 {strides = array<i32>} : memref<4000x128xf32, #tpu.memory_space<vmem>>, vector<4000x128xf32>,
      %add3A = arith.constant 25 : i32
      %add3A_43 = arith.addi %add3A, %arg0 : i32
      %mul3A_44 = arith.constant 4000 : i32
      %mul3A_45 = arith.muli %add3A_43, %mul3A_44 : i32
      %dma_start3A = arith.constant 0 : i32
      %dma_start3A_46 = tpu.memref_slice %arg4[%mul3A_45, %dma_start3A] : memref<1000000x128xf32, #tpu.memory_space<hbm>> -> memref<4000x128xf32, #tpu.memory_space<hbm>>
      tpu.enqueue_dma source(%arg7 : memref<4000x128xf32, #tpu.memory_space<vmem>>) target(%dma_start3A_46 : memref<4000x128xf32, #tpu.memory_space<hbm>>) target_semaphore(%arg11 : memref<!tpu.dma_semaphore, #tpu.memory_space<semaphore_mem>>)
    } else {
    }
    %rem3A_17 = arith.constant 4 : i32
    %rem3A_18 = arith.remsi %arg0, %rem3A_17 : i32
    %eq3A_19 = arith.constant 3 : i32
    %eq3A_20 = arith.cmpi eq, %rem3A_18, %eq3A_19 : i32
    %convert_element_type3A_21 = arith.extui %eq3A_20 : i1 to i32
    %cond3A_22 = arith.constant 0 : i32
    %cond3A_23 = arith.cmpi ne, %convert_element_type3A_21, %cond3A_22 : i32
    scf.if %cond3A_23 {
      %ge3A = arith.constant 4 : i32
      %ge3A_29 = arith.cmpi sge, %arg0, %ge3A : i32
      %convert_element_type3A_30 = arith.extui %ge3A_29 : i1 to i32
      %cond3A_31 = arith.constant 0 : i32
      %cond3A_32 = arith.cmpi ne, %convert_element_type3A_30, %cond3A_31 : i32
      scf.if %cond3A_32 {
        %add3A_47 = arith.constant 25 : i32
        %add3A_48 = arith.addi %add3A_47, %arg0 : i32
        %mul3A_49 = arith.constant 4000 : i32
        %mul3A_50 = arith.muli %add3A_48, %mul3A_49 : i32
        %dma_wait3A = arith.constant 0 : i32
        %dma_wait3A_51 = tpu.memref_slice %arg4[%mul3A_50, %dma_wait3A] : memref<1000000x128xf32, #tpu.memory_space<hbm>> -> memref<4000x128xf32, #tpu.memory_space<hbm>>
        tpu.wait_dma2 semaphore(%arg12 : memref<!tpu.dma_semaphore, #tpu.memory_space<semaphore_mem>>) src(%arg8 : memref<4000x128xf32, #tpu.memory_space<vmem>>) dst(%dma_wait3A_51 : memref<4000x128xf32, #tpu.memory_space<hbm>>)
      } else {
      }
      %get3A = arith.constant 0 : index
      %get3A_33 = arith.constant 0 : index
      %get3A_34 = vector.load %arg2[%get3A, %get3A_33] : memref<4000x32xf32, #tpu.memory_space<vmem>>, vector<4000x32xf32>
      %get3A_35 = arith.constant 0 : index
      %get3A_36 = arith.constant 0 : index
      %get3A_37 = vector.load %arg3[%get3A_35, %get3A_36] : memref<32x128xf32, #tpu.memory_space<vmem>>, vector<32x128xf32>
      %dot_general3A = arith.constant dense<0.000000e+00> : vector<4000x128xf32>
      %dot_general3A_38 = tpu.matmul %get3A_34, %get3A_37, %dot_general3A {dimension_numbers = #tpu.dot_dimension_numbers<[1], [0], [0], [1], [0, 0, 1, 1], [], []>, transpose_lhs_hint = false} : vector<4000x32xf32>, vector<32x128xf32>, vector<4000x128xf32> -> vector<4000x128xf32>
      %mul3A = arith.constant 11.3137083 : f32
      %mul3A_39 = vector.broadcast %mul3A : f32 to vector<4000x128xf32>
      %mul3A_40 = arith.mulf %dot_general3A_38, %mul3A_39 : vector<4000x128xf32>
      %swap3A = arith.constant 0 : index
      %swap3A_41 = arith.constant 0 : index
      %swap3A_42 = vector.load %arg8[%swap3A, %swap3A_41] : memref<4000x128xf32, #tpu.memory_space<vmem>>, vector<4000x128xf32>
      tpu.vector_store %arg8[%swap3A, %swap3A_41], %mul3A_40 {strides = array<i32>} : memref<4000x128xf32, #tpu.memory_space<vmem>>, vector<4000x128xf32>,
      %add3A = arith.constant 25 : i32
      %add3A_43 = arith.addi %add3A, %arg0 : i32
      %mul3A_44 = arith.constant 4000 : i32
      %mul3A_45 = arith.muli %add3A_43, %mul3A_44 : i32
      %dma_start3A = arith.constant 0 : i32
      %dma_start3A_46 = tpu.memref_slice %arg4[%mul3A_45, %dma_start3A] : memref<1000000x128xf32, #tpu.memory_space<hbm>> -> memref<4000x128xf32, #tpu.memory_space<hbm>>
      tpu.enqueue_dma source(%arg8 : memref<4000x128xf32, #tpu.memory_space<vmem>>) target(%dma_start3A_46 : memref<4000x128xf32, #tpu.memory_space<hbm>>) target_semaphore(%arg12 : memref<!tpu.dma_semaphore, #tpu.memory_space<semaphore_mem>>)
    } else {
    }
    %eq3A_24 = arith.constant 19 : i32
    %eq3A_25 = arith.cmpi eq, %arg0, %eq3A_24 : i32
    %convert_element_type3A_26 = arith.extui %eq3A_25 : i1 to i32
    %cond3A_27 = arith.constant 0 : i32
    %cond3A_28 = arith.cmpi ne, %convert_element_type3A_26, %cond3A_27 : i32
    scf.if %cond3A_28 {
      %add3A = arith.constant 25 : i32
      %add3A_29 = arith.addi %add3A, %arg0 : i32
      %mul3A = arith.constant 4000 : i32
      %mul3A_30 = arith.muli %add3A_29, %mul3A : i32
      %dma_wait3A = arith.constant 0 : i32
      %dma_wait3A_31 = tpu.memref_slice %arg4[%mul3A_30, %dma_wait3A] : memref<1000000x128xf32, #tpu.memory_space<hbm>> -> memref<4000x128xf32, #tpu.memory_space<hbm>>
      tpu.wait_dma2 semaphore(%arg9 : memref<!tpu.dma_semaphore, #tpu.memory_space<semaphore_mem>>) src(%arg5 : memref<4000x128xf32, #tpu.memory_space<vmem>>) dst(%dma_wait3A_31 : memref<4000x128xf32, #tpu.memory_space<hbm>>)
      %add3A_32 = arith.constant 25 : i32
      %add3A_33 = arith.addi %add3A_32, %arg0 : i32
      %mul3A_34 = arith.constant 4000 : i32
      %mul3A_35 = arith.muli %add3A_33, %mul3A_34 : i32
      %dma_wait3A_36 = arith.constant 0 : i32
      %dma_wait3A_37 = tpu.memref_slice %arg4[%mul3A_35, %dma_wait3A_36] : memref<1000000x128xf32, #tpu.memory_space<hbm>> -> memref<4000x128xf32, #tpu.memory_space<hbm>>
      tpu.wait_dma2 semaphore(%arg10 : memref<!tpu.dma_semaphore, #tpu.memory_space<semaphore_mem>>) src(%arg6 : memref<4000x128xf32, #tpu.memory_space<vmem>>) dst(%dma_wait3A_37 : memref<4000x128xf32, #tpu.memory_space<hbm>>)
      %add3A_38 = arith.constant 25 : i32
      %add3A_39 = arith.addi %add3A_38, %arg0 : i32
      %mul3A_40 = arith.constant 4000 : i32
      %mul3A_41 = arith.muli %add3A_39, %mul3A_40 : i32
      %dma_wait3A_42 = arith.constant 0 : i32
      %dma_wait3A_43 = tpu.memref_slice %arg4[%mul3A_41, %dma_wait3A_42] : memref<1000000x128xf32, #tpu.memory_space<hbm>> -> memref<4000x128xf32, #tpu.memory_space<hbm>>
      tpu.wait_dma2 semaphore(%arg11 : memref<!tpu.dma_semaphore, #tpu.memory_space<semaphore_mem>>) src(%arg7 : memref<4000x128xf32, #tpu.memory_space<vmem>>) dst(%dma_wait3A_43 : memref<4000x128xf32, #tpu.memory_space<hbm>>)
      %add3A_44 = arith.constant 25 : i32
      %add3A_45 = arith.addi %add3A_44, %arg0 : i32
      %mul3A_46 = arith.constant 4000 : i32
      %mul3A_47 = arith.muli %add3A_45, %mul3A_46 : i32
      %dma_wait3A_48 = arith.constant 0 : i32
      %dma_wait3A_49 = tpu.memref_slice %arg4[%mul3A_47, %dma_wait3A_48] : memref<1000000x128xf32, #tpu.memory_space<hbm>> -> memref<4000x128xf32, #tpu.memory_space<hbm>>
      tpu.wait_dma2 semaphore(%arg12 : memref<!tpu.dma_semaphore, #tpu.memory_space<semaphore_mem>>) src(%arg8 : memref<4000x128xf32, #tpu.memory_space<vmem>>) dst(%dma_wait3A_49 : memref<4000x128xf32, #tpu.memory_space<hbm>>)
    } else {
    }
    return
  }
  func.func @transform_1(%arg0: i32) -> (i32, i32) {
    %c0_i32 = arith.constant 0 : i32
    %c0_i32_0 = arith.constant 0 : i32
    return %arg0, %c0_i32 : i32, i32
  }
  func.func @transform_2(%arg0: i32) -> (i32, i32) {
    %c0_i32 = arith.constant 0 : i32
    %c0_i32_0 = arith.constant 0 : i32
    %c0_i32_1 = arith.constant 0 : i32
    return %c0_i32, %c0_i32_0 : i32, i32
  }
}

module attributes {stable_mosaic.version = 14 : i64} {
  func.func @body(%arg0: i32, %arg1: memref<1000000x128xf32, #tpu.memory_space<hbm>>, %arg2: memref<4000x32xf32, #tpu.memory_space<vmem>>, %arg3: memref<32x128xf32, #tpu.memory_space<vmem>>, %arg4: memref<1000000x128xf32, #tpu.memory_space<hbm>>, %arg5: memref<4000x128xf32, #tpu.memory_space<vmem>>, %arg6: memref<4000x128xf32, #tpu.memory_space<vmem>>, %arg7: memref<4000x128xf32, #tpu.memory_space<vmem>>, %arg8: memref<4000x128xf32, #tpu.memory_space<vmem>>, %arg9: memref<!tpu.dma_semaphore, #tpu.memory_space<semaphore_mem>>, %arg10: memref<!tpu.dma_semaphore, #tpu.memory_space<semaphore_mem>>, %arg11: memref<!tpu.dma_semaphore, #tpu.memory_space<semaphore_mem>>, %arg12: memref<!tpu.dma_semaphore, #tpu.memory_space<semaphore_mem>>) attributes {dimension_semantics = [#tpu.dimension_semantics<arbitrary>], iteration_bounds = array<i64: 0>, scalar_prefetch = 0 : i64, scratch_operands = 8 : i64, tpu.core_type = #tpu.core_type<tc>, window_params = [{}, {transform_indices = @transform_1, window_bounds = array<i64: 4000, 32>}, {transform_indices = @transform_2, window_bounds = array<i64: 32, 128>}, {}]} {
    return
  }
  func.func @transform_1(%arg0: i32) -> (i32, i32) {
    %c0_i32 = arith.constant 0 : i32
    %c0_i32_0 = arith.constant 0 : i32
    return %arg0, %c0_i32 : i32, i32
  }
  func.func @transform_2(%arg0: i32) -> (i32, i32) {
    %c0_i32 = arith.constant 0 : i32
    %c0_i32_0 = arith.constant 0 : i32
    %c0_i32_1 = arith.constant 0 : i32
    return %c0_i32, %c0_i32_0 : i32, i32
  }
}

</mosaic_0001>

<sc_bundles>
// kernel: kernel.7.cloned.1.call-start
scs
__scs_entry_jumppad:
0x0: {  	(pc) =	sbr.rel $0x88, $3  }
0x1: {  	(tag) =	ssettag $0x0;
	lr =	simm.s32 $0x1  }
0x2: {  	[smem:$0x3F98] =	sst lr;
	_ =	strace $0xD0000000  }
0x3: {  	_ = 	snop  }
0x4: {  	_ = 	snop  }
0x5: {  	_ = 	snop  }
0x6: {  	_ = 	snop  }
0x7: {  	_ = 	snop  }
__scs_overlays_trampoline_lowered:
0x8: {  	[smem:$0x3FA7] =	sst s0  }
0x9: {  	[smem:$0x3FA8] =	sst s1  }
0xa: {  	[smem:$0x3FA9] =	sst s2  }
0xb: {  	[smem:$0x3FAA] =	sst s3  }
0xc: {  	[smem:$0x3FAB] =	sst s4  }
0xd: {  	[smem:$0x3FAC] =	sst s5  }
0xe: {  	[smem:$0x3FAD] =	sst s6  }
0xf: {  	[smem:$0x3FAE] =	sst s7  }
0x10: {  	[smem:$0x3FAF] =	sst s8  }
0x11: {  	[smem:$0x3FB0] =	sst s9;
	s0 =	simm.s32 @!p0 $0x0  }
0x12: {  	s1 =	sld [smem:$0x3F96];
	s0 =	simm.s32 @p0 $0x1  }
0x13: {  	[smem:$0x3FB1] =	sst s0;
	s0 =	simm.s32 @!p1 $0x0  }
0x14: {  	s2 =	sld [smem:$0x3F95];
	s0 =	simm.s32 @p1 $0x1  }
0x15: {  	[smem:$0x3FB2] =	sst s0;
	s0 =	simm.s32 @!p2 $0x0  }
0x16: {  	s3 =	sld [smem:$0x3FDB];
	s0 =	simm.s32 @p2 $0x1  }
0x17: {  	s4 =	simm.s32 $0x1BF5;
	[smem:$0x3FB4] =	sst s0  }
0x18: {  	s0 =	sld [smem:$0x3F97];
	_ =	swait.ge [sflag:s4], $0x0  }
0x19: {  	s7 =	sld [smem:$0x3F98]  }
0x1a: {  	s8 =	sadd.s32 $0xFFFFE003, lr  }
0x1b: {  	s9 =	sadd.s32 $0xFFFFFEF7, lr;
	s5 =	simm.s32 $0xFFFFFFFF;
	p2 =	slt.u32 s8, $0xFFFFF086  }
0x1c: {  	p1 =	slt.u32 s9, $0xF7A;
	s5 =	simm.s32 @!p2 $0x0  }
0x1d: {  	s5 =	simm.s32 @p1 $0x1;
	p0 =	seq.s32 s7, s2  }
0x1e: {  	s7 =	smul.u32 @!p0 $0xF7A, s2;
	p2 =	seq.s32 @!p0 s5, $0x0  }
0x1f: {  	s9 =	smul.u32 $0xF7A, s1;
	s8 =	simm.s32 @!p0 $0x1BF5;
	p2 =	por !p2, p0  }
0x20: {  	[sflag:s8] =	ssyncset.s32 @!p0 $0xFFFFF086;
	s6 =	sadd.s32 @!p0 s3, s7;
	s7 =	simm.s32 @!p0 $0x108  }
0x21: {  	s3 =	sadd.s32 s3, s9;
	s6 =	sadd.s32 @!p0 $0x88, s6;
	s7 =	simm.s32 @p2 $0x1082  }
0x22: {  	[simem:s7], [sflag:s8] =	dma.local @!p0 [hbm:s6], $0xF7A  }
0x23: {  	s9 =	sor.u32 $0xD0000000, s2;
	s6 =	simm.s32 $0x108;
	_ =	swait.ge @!p0 [sflag:s8], $0x0  }
0x24: {  	s3 =	sadd.s32 $0x88, s3;
	s6 =	simm.s32 @!p1 $0x1082;
	[sflag:s4] =	ssyncset.s32 $0xFFFFF086  }
0x25: {  	[simem:s6], [sflag:s4] =	dma.local [hbm:s3], $0xF7A  }
0x26: {  	[smem:$0x3F98] =	sst s1;
	(tag) =	ssettag s2;
	_ =	strace s9  }
0x27: {  	s1 =	sld [smem:$0x3FA8]  }
0x28: {  	s2 =	sld [smem:$0x3FA9]  }
0x29: {  	s4 =	sld [smem:$0x3FAB]  }
0x2a: {  	p0 =	seq.s32 s5, $0x0;
	s5 =	sld [smem:$0x3FAC]  }
0x2b: {  	s6 =	sld [smem:$0x3FAD]  }
0x2c: {  	s7 =	sld [smem:$0x3FAE]  }
0x2d: {  	s3 =	simm.s32 $0x108;
	s8 =	sld [smem:$0x3FAF]  }
0x2e: {  	s3 =	simm.s32 @!p0 $0x1082;
	s9 =	sld [smem:$0x3FB0]  }
0x2f: {  	lr =	sadd.s32 s0, s3;
	s0 =	sld [smem:$0x3FA7]  }
0x30: {  	s3 =	sld [smem:$0x3FAA]  }
0x31: {  	[smem:$0x3FB3] =	sst s10  }
0x32: {  	s10 =	sld [smem:$0x3FB1];
	_ =	sdelay $0x3  }
0x33: {  	p0 =	seq.s32 s10, $0x1;
	s10 =	sld [smem:$0x3FB3];
	_ =	sdelay $0x3  }
0x34: {  	[smem:$0x3FB3] =	sst s10  }
0x35: {  	s10 =	sld [smem:$0x3FB2];
	_ =	sdelay $0x3  }
0x36: {  	p1 =	seq.s32 s10, $0x1;
	s10 =	sld [smem:$0x3FB3];
	_ =	sdelay $0x3  }
0x37: {  	[smem:$0x3FB3] =	sst s10  }
0x38: {  	s10 =	sld [smem:$0x3FB4]  }
0x39: {  	_ = 	snop;
	(pc) =	sbr.ind lr, $3  }
0x3a: {  	_ = 	snop  }
0x3b: {  	_ = 	snop  }
0x3c: {  	p2 =	seq.s32 s10, $0x1;
	s10 =	sld [smem:$0x3FB3]  }
0x3d: {  	_ =	shalt  }
0x3e: {  	_ =	shalt  }
0x3f: {  	_ =	shalt  }
0x40: {  	_ =	shalt  }
0x41: {  	_ =	shalt  }
0x42: {  	_ =	shalt  }
0x43: {  	_ =	shalt  }
0x44: {  	_ =	shalt  }
0x45: {  	_ =	shalt  }
0x46: {  	_ =	shalt  }
0x47: {  	_ =	shalt  }
0x48: {  	_ =	shalt  }
0x49: {  	_ =	shalt  }
0x4a: {  	_ =	shalt  }
0x4b: {  	_ =	shalt  }
0x4c: {  	_ =	shalt  }
0x4d: {  	_ =	shalt  }
0x4e: {  	_ =	shalt  }
0x4f: {  	_ =	shalt  }
0x50: {  	_ =	shalt  }
0x51: {  	_ =	shalt  }
0x52: {  	_ =	shalt  }
0x53: {  	_ =	shalt  }
0x54: {  	_ =	shalt  }
0x55: {  	_ =	shalt  }
0x56: {  	_ =	shalt  }
0x57: {  	_ =	shalt  }
0x58: {  	_ =	shalt  }
0x59: {  	_ =	shalt  }
0x5a: {  	_ =	shalt  }
0x5b: {  	_ =	shalt  }
0x5c: {  	_ =	shalt  }
0x5d: {  	_ =	shalt  }
0x5e: {  	_ =	shalt  }
0x5f: {  	_ =	shalt  }
0x60: {  	_ =	shalt  }
0x61: {  	_ =	shalt  }
0x62: {  	_ =	shalt  }
0x63: {  	_ =	shalt  }
0x64: {  	_ =	shalt  }
0x65: {  	_ =	shalt  }
0x66: {  	_ =	shalt  }
0x67: {  	_ =	shalt  }
0x68: {  	_ =	shalt  }
0x69: {  	_ =	shalt  }
0x6a: {  	_ =	shalt  }
0x6b: {  	_ =	shalt  }
0x6c: {  	_ =	shalt  }
0x6d: {  	_ =	shalt  }
0x6e: {  	_ =	shalt  }
0x6f: {  	_ =	shalt  }
0x70: {  	_ =	shalt  }
0x71: {  	_ =	shalt  }
0x72: {  	_ =	shalt  }
0x73: {  	_ =	shalt  }
0x74: {  	_ =	shalt  }
0x75: {  	_ =	shalt  }
0x76: {  	_ =	shalt  }
0x77: {  	_ =	shalt  }
0x78: {  	_ =	shalt  }
0x79: {  	_ =	shalt  }
0x7a: {  	_ =	shalt  }
0x7b: {  	_ =	shalt  }
0x7c: {  	_ =	shalt  }
0x7d: {  	_ =	shalt  }
0x7e: {  	_ =	shalt  }
0x7f: {  	_ =	shalt  }
0x80: {  	_ =	shalt  }
0x81: {  	_ =	shalt  }
0x82: {  	_ =	shalt  }
0x83: {  	_ =	shalt  }
0x84: {  	_ =	shalt  }
0x85: {  	_ =	shalt  }
0x86: {  	_ =	shalt  }
0x87: {  	_ =	shalt  }
.Lfunc_end0:
.L_simem_size_0:
called_computation_lowered:
.L_overlay_start_0:
0x88: {  	s2 =	sld [smem:$0x3FD9]  }
0x89: {  	s3 =	sld [smem:$0x3FFE];
	_ =	sdelay $0x1  }
0x8a: {  	s1 =	srdreg.scid  }
0x8b: {  	s0 =	sand.u32 $0x1, s1  }
0x8c: {  	s17 =	sshll.u32 s0, $0xA;
	s2 =	sadd.s32 s3, s2  }
0x8d: {  	s2 =	sadd.s32 s2, s17  }
0x8e: {  	[smem:$0x3FBF] =	sst s2  }
0x8f: {  	_ = 	snop  }
0x90: {  	s2 =	sld [smem:$0x3FD0];
	(tm) =	ssettm $0x1  }
0x91: {  	s18 =	sld [smem:$0x3FFB];
	_ =	sdelay $0x3  }
0x92: {  	_ =	strace s18  }
0x93: {  	s3 =	sld [smem:$0x3FFC];
	_ =	sdelay $0x3  }
0x94: {  	_ =	strace s3  }
0x95: {  	s3 =	sld [smem:$0x3FFD];
	_ =	sdelay $0x3  }
0x96: {  	_ =	strace s3  }
0x97: {  	_ =	strace $0x8FFFFFFF  }
0x98: {  	s19 =	sld [smem:$0x3FDB];
	_ =	sdelay $0x1  }
0x99: {  	s4 =	simm.s32 $_scs_section_size  }
0x9a: {  	s5 =	simm.s32 $_size__tile_overlayer_lowered;
	s6 =	simm.s32 $_tile_overlayer_lowered  }
0x9b: {  	s22 =	simm.s32 $0x1BFF;
	s21 =	sshll.u32 s6, $0x1;
	s3 =	sadd.s32 s4, s19  }
0x9c: {  	s7 =	simm.s32 $0x0;
	s20 =	sshll.u32 s5, $0x1;
	s5 =	sadd.s32 s21, s3  }
0x9d: {  	[timem:s7], [sflag:s22] =	dma.local [hbm:s5], s20  }
0x9e: {  	_ =	swait.ge [sflag:s22], s20  }
0x9f: {  	s4 =	ssub.s32 $0x0, s20;
	[sflag:s22] =	ssyncset.done $0x0  }
0xa0: {  	[sflag:s22] =	ssyncadd.s32 s4;
	_ =	sdelay $0x1  }
0xa1: {  	s23 =	simm.s32 $0x1B8B  }
0xa2: {  	_ =	swait.ge [sflag:s23], $0x1  }
0xa3: {  	[sflag:s23] =	ssyncset.done $0x0  }
0xa4: {  	s25 =	simm.s32 $0x1B8E;
	s24 =	sld [smem:$0x3FFE];
	[sflag:s23] =	ssyncadd.s32 $0xFFFFFFFF  }
0xa5: {  	s26 =	simm.s32 $execute0_lowered;
	[smem:$0x3FD2] =	sst s25  }
0xa6: {  	s5 =	sshll.u32 s26, $0x1;
	_ =	strace $0x80000046;
	[dreg:$0x1] =	wrdreg $0xFFFFFFFF  }
0xa7: {  	s28 =	simm.s32 $_size_execute0_lowered;
	s3 =	sadd.s32 s3, s5;
	[dreg:$0x0] =	wrdreg $0x0  }
0xa8: {  	s5 =	sshll.u32 s28, $0x1;
	[dreg:$0x2] =	wrdreg s3  }
0xa9: {  	[dreg:$0x3] =	wrdreg s5  }
0xaa: {  	[dreg:$0x4] =	wrdreg $0xC0  }
0xab: {  	_ =	task [dreg:s7], $0x5FFFF  }
0xac: {  	[dreg:$0x1] =	wrdreg $0xFFFFFFFF  }
0xad: {  	[dreg:$0x0] =	wrdreg $0x60  }
0xae: {  	[dreg:$0x2] =	wrdreg s24  }
0xaf: {  	[dreg:$0x3] =	wrdreg s2  }
0xb0: {  	[dreg:$0x4] =	wrdreg $0x9  }
0xb1: {  	_ =	task.clear_ibuf [dreg:s7], $0x5FFFF;
	_ =	strace $0x90000046  }
0xb2: {  	s29 =	simm.s32 $0x9;
	_ =	strace $0x80000048  }
0xb3: {  	_ =	swait.ge [sflag:s29], $0x1  }
0xb4: {  	[sflag:s29] =	ssyncadd.s32 $0xFFFFFFFF  }
0xb5: {  	_ =	strace $0x90000048  }
0xb6: {  	_ =	sfence  }
0xb7: {  	s30 =	sld [smem:$0x0];
	_ =	sdelay $0x2  }
0xb8: {  	s31 =	sshll.u32 s1, $0xD;
	s1 =	sshrl.u32 s1, $0x2  }
0xb9: {  	s3 =	sand.u32 $0x4000, s31;
	s1 =	sadd.s32 s1, s30  }
0xba: {  	s0 =	sor.u32 s3, s0;
	s1 =	sshll.u32 s1, $0x11  }
0xbb: {  	s0 =	sor.u32 s1, s0  }
0xbc: {  	s0 =	sadd.s32 $0x8F2B, s0  }
0xbd: {  	[sflag:s0] =	ssyncadd.remote.s32 $0x1  }
0xbe: {  	_ =	sfence.sel $0xFFFF  }
0xbf: {  	[dreg:$0x0] =	wrdreg $0xFFFFFFFF;
	(pc) =	sbr.abs _section_cstart, $3  }
0xc0: {  	[dreg:$0x1] =	wrdreg $0xFFFFFFFF  }
0xc1: {  	_ =	task.clear_ibuf [dreg:s7], $0x2FFFF;
	_ =	strace $0x9FFFFFFF  }
0xc2: {  	(tm) =	ssettm $0x7FFFFFFF  }
0xc3: {  	_ =	shalt  }
tec
execute0_lowered:
.L_overlay_start_1:
0x0: {  	(tag) =	ssettag $0x1  }
0x1: {  	s3 =	srdreg.scid;
	s11 =	stileid.u32  }
0x2: {  	s0 =	rddreg [dreg:$0x0];
	s6 =	sand.u32 $0x1, s3;
	s13 =	smul.u32 $0x1900000, s11  }
0x3: {  	s1 =	rddreg [dreg:$0x1];
	s15 =	sshll.u32 s11, $0x1;
	s14 =	smul.u32 $0xC80000, s6  }
0x4: {  	s2 =	simm.s32 $0x0;
	s7 =	sor.u32 s6, s15;
	s15 =	smul.u32 $0x6400, s11  }
0x5: {  	s28 =	simm.s32 $0x4;
	s29 =	simm.s32 $0x6;
	s5 =	smul.u32 $0x3200, s7  }
0x6: {  	s30 =	simm.s32 $0x0;
	[smem:$0x7FF] =	sst s2;
	s9 =	smul.u32 $0x320, s7  }
0x7: {  	s3 =	sadd.s32 $0x66200, s0;
	s16 =	ssub.s32 $0x2, s6;
	s10 =	smul.u32 $0x190000, s7  }
0x8: {  	s4 =	sadd.s32 $0x2200, s0;
	s8 =	sshrl.u32 s16, $0x1;
	s7 =	smul.u32 $0xC80000, s7  }
0x9: {  	_ =	strace $0x80000047;
	s0 =	ssub.s32 s16, s8;
	s16 =	smul.u32 $0x640, s11  }
0xa: {  	s23 =	sadd.s32 s14, s13;
	s5 =	sadd.s32 s4, s5;
	s19 =	sadd.s32 s1, s10  }
0xb: {  	s12 =	sadd.s32 $0x31E, s9;
	s7 =	sshrl.u32 s7, $0x3;
	s13 =	smax.u32 s0, $0x1  }
0xc: {  	s24 =	sor.u32 $0x10000, s23;
	s23 =	simm.s32 $0xC200;
	s17 =	sadd.s32 $0x20, s5  }
0xd: {  	s18 =	sadd.s32 $0x40, s5;
	[dreg:$0x6] =	wrdreg s19;
	s9 =	sshll.u32 s12, $0x4  }
0xe: {  	s7 =	sadd.s32 s1, s7;
	s22 =	sshll.u32 s12, $0xB;
	s0 =	sshrl.u32 s24, $0x3  }
0xf: {  	s19 =	simm.s32 $0x4200;
	s24 =	simm.s32 $0x3;
	[dreg:$0x4] =	wrdreg s17  }
0x10: {  	[dreg:$0x5] =	wrdreg s18;
	s20 =	sadd.s32 s4, s9;
	s21 =	sadd.s32 $0x18D000, s7  }
0x11: {  	s11 =	sadd.s32 $0x18E000, s7;
	s17 =	smul.u32 $0x320, s6;
	s12 =	sadd.s32 s1, s22  }
0x12: {  	s6 =	smul.u32 $0x3200, s6;
	s18 =	simm.s32 $0x200;
	[dreg:$0x7] =	wrdreg s20  }
0x13: {  	s22 =	simm.s32 $0x180;
	[dreg:$0x8] =	wrdreg s21;
	s20 =	simm.s32 $0x2  }
0x14: {  	s21 =	simm.s32 $0x8200;
	s25 =	sadd.s32 s17, s16;
	s26 =	sadd.s32 s6, s15  }
0x15: {  	s6 =	sadd.s32 s0, s1;
	s16 =	simm.s32 $0x100;
	s7 =	sshll.u32 s25, $0xB  }
0x16: {  	s17 =	simm.s32 $0x1;
	[dreg:$0x3] =	wrdreg s26;
	s31 =	sadd.s32 s7, s1  }
0x17: {  	s25 =	simm.s32 $0x5;
	s26 =	simm.s32 $0x80;
	s15 =	sadd.s32 $0x1000, s31  }
.LBB2_1:
0x18: {  	[tilespmem:s2], [sflag:$0x1] =	stream.linear.gather [hbm4b:s5+s2], $0x100, $0x38;
	[tilespmem:$0x10200] =	vst v63  }
0x19: {  	s0 =	rddreg [dreg:$0x4]  }
0x1a: {  	[tilespmem:s16], [sflag:$0x2] =	stream.linear.gather [hbm4b:s0+s2], $0x100, $0x38;
	[tilespmem:$0x10200] =	vst v63  }
0x1b: {  	_ =	swait.ge [sflag:s17], $0x100  }
0x1c: {  	[sflag:s17] =	ssyncset.done $0x0  }
0x1d: {  	[sflag:s17] =	ssyncadd.s32 $0xFFFFFF00  }
0x1e: {  	[tilespmem:s18], [sflag:$0x3] =	stream.indirect.gather [hbm4b:s3+s26], $0x80, s2, s26, $0xb8;
	[tilespmem:$0x10200] =	vst v63  }
0x1f: {  	_ = 	snop  }
0x20: {  	[tilespmem:s19], [sflag:$0x3] =	stream.indirect.gather [hbm4b:s3+s26], $0x80, s26, s26, $0xb8;
	[tilespmem:$0x10200] =	vst v63  }
0x21: {  	_ =	swait.ge [sflag:s20], $0x100  }
0x22: {  	[sflag:s20] =	ssyncset.done $0x0  }
0x23: {  	[sflag:s20] =	ssyncadd.s32 $0xFFFFFF00  }
0x24: {  	[tilespmem:s21], [sflag:$0x4] =	stream.indirect.gather [hbm4b:s3+s26], $0x80, s16, s26, $0xb8;
	[tilespmem:$0x10200] =	vst v63  }
0x25: {  	_ = 	snop  }
0x26: {  	[tilespmem:s23], [sflag:$0x4] =	stream.indirect.gather [hbm4b:s3+s26], $0x80, s22, s26, $0xb8;
	[tilespmem:$0x10200] =	vst v63  }
0x27: {  	_ =	swait.ge [sflag:s24], $0x4000  }
0x28: {  	[sflag:s24] =	ssyncset.done $0x0  }
0x29: {  	[sflag:s24] =	ssyncadd.s32 $0xFFFFC000  }
0x2a: {  	_ =	swait.ge [sflag:s24], $0x4000  }
0x2b: {  	[sflag:s24] =	ssyncset.done $0x0  }
0x2c: {  	s8 =	rddreg [dreg:$0x5];
	[sflag:s24] =	ssyncadd.s32 $0xFFFFC000  }
0x2d: {  	[tilespmem:s2], [sflag:$0x1] =	stream.linear.gather [hbm4b:s8+s2], $0x100, $0x38;
	[tilespmem:$0x10200] =	vst v63  }
0x2e: {  	s9 =	rddreg [dreg:$0x6]  }
0x2f: {  	[hbm4b:s9+s2] =	stream.linear.scatter [tilespmem:s18], [sflag:$0x5], $0x8000, $0x38;
	[tilespmem:$0x10200] =	vst v63  }
0x30: {  	_ =	swait.ge [sflag:s17], $0x100  }
0x31: {  	[sflag:s17] =	ssyncset.done $0x0  }
0x32: {  	[sflag:s17] =	ssyncadd.s32 $0xFFFFFF00  }
0x33: {  	_ =	swait.ge [sflag:s25], $0x8000  }
0x34: {  	[sflag:s25] =	ssyncset.done $0x0  }
0x35: {  	[sflag:s25] =	ssyncadd.s32 $0xFFFF8000  }
0x36: {  	[tilespmem:s18], [sflag:$0x3] =	stream.indirect.gather [hbm4b:s3+s26], $0x80, s2, s26, $0xb8;
	[tilespmem:$0x10200] =	vst v63  }
0x37: {  	_ = 	snop  }
0x38: {  	[tilespmem:s19], [sflag:$0x3] =	stream.indirect.gather [hbm4b:s3+s26], $0x80, s26, s26, $0xb8;
	[tilespmem:$0x10200] =	vst v63  }
0x39: {  	_ =	swait.ge [sflag:s28], $0x4000  }
0x3a: {  	[sflag:s28] =	ssyncset.done $0x0  }
0x3b: {  	[sflag:s28] =	ssyncadd.s32 $0xFFFFC000  }
0x3c: {  	_ =	swait.ge [sflag:s28], $0x4000  }
0x3d: {  	s10 =	rddreg [dreg:$0x3]  }
0x3e: {  	s1 =	simm.s32 $0x40;
	s0 =	sadd.s32 $0x80, s10  }
0x3f: {  	s1 =	sand.u32 $0x40, s1;
	s7 =	sadd.s32 $0xFFFFFFC0, s0  }
0x40: {  	s1 =	sadd.s32 s1, s4;
	s7 =	sand.u32 $0xFFFFF80, s7  }
0x41: {  	[sflag:s28] =	ssyncset.done $0x0;
	s1 =	sadd.s32 s7, s1  }
0x42: {  	[sflag:s28] =	ssyncadd.s32 $0xFFFFC000;
	s1 =	sadd.s32 $0x20, s1  }
0x43: {  	[tilespmem:s16], [sflag:$0x2] =	stream.linear.gather [hbm4b:s1+s2], $0x100, $0x38;
	[tilespmem:$0x10200] =	vst v63  }
0x44: {  	_ = 	snop  }
0x45: {  	[hbm4b:s15+s2] =	stream.linear.scatter [tilespmem:s21], [sflag:$0x6], $0x8000, $0x38;
	[tilespmem:$0x10200] =	vst v63  }
0x46: {  	_ =	swait.ge [sflag:s20], $0x100  }
0x47: {  	[sflag:s20] =	ssyncset.done $0x0  }
0x48: {  	[sflag:s20] =	ssyncadd.s32 $0xFFFFFF00  }
0x49: {  	_ =	swait.ge [sflag:s29], $0x8000  }
0x4a: {  	[sflag:s29] =	ssyncset.done $0x0  }
0x4b: {  	[sflag:s29] =	ssyncadd.s32 $0xFFFF8000  }
0x4c: {  	[tilespmem:s21], [sflag:$0x4] =	stream.indirect.gather [hbm4b:s3+s26], $0x80, s16, s26, $0xb8;
	[tilespmem:$0x10200] =	vst v63  }
0x4d: {  	_ = 	snop  }
0x4e: {  	[tilespmem:s23], [sflag:$0x4] =	stream.indirect.gather [hbm4b:s3+s26], $0x80, s22, s26, $0xb8;
	[tilespmem:$0x10200] =	vst v63  }
0x4f: {  	_ =	swait.ge [sflag:s24], $0x4000  }
0x50: {  	[sflag:s24] =	ssyncset.done $0x0  }
0x51: {  	[sflag:s24] =	ssyncadd.s32 $0xFFFFC000  }
0x52: {  	s14 =	sand.u32 $0x40, s26;
	_ =	swait.ge [sflag:s24], $0x4000  }
0x53: {  	s0 =	sand.u32 $0xFFFFF80, s0;
	s1 =	sadd.s32 s4, s14;
	[sflag:s24] =	ssyncset.done $0x0  }
0x54: {  	s31 =	simm.s32 $0xC0;
	s0 =	sadd.s32 s0, s1;
	[sflag:s24] =	ssyncadd.s32 $0xFFFFC000  }
0x55: {  	[tilespmem:s2], [sflag:$0x1] =	stream.linear.gather [hbm4b:s0+s2], $0x100, $0x38;
	[tilespmem:$0x10200] =	vst v63  }
0x56: {  	s14 =	smov.u32 s6;
	s1 =	sadd.s32 $0x2000, s15;
	s0 =	sadd.s32 $0x2000, s6  }
.LBB2_2:
0x57: {  	[hbm4b:s14+s2] =	stream.linear.scatter [tilespmem:s18], [sflag:$0x5], $0x8000, $0x38;
	[tilespmem:$0x10200] =	vst v63  }
0x58: {  	_ =	swait.ge [sflag:s17], $0x100  }
0x59: {  	[sflag:s17] =	ssyncset.done $0x0  }
0x5a: {  	[sflag:s17] =	ssyncadd.s32 $0xFFFFFF00  }
0x5b: {  	_ =	swait.ge [sflag:s25], $0x8000  }
0x5c: {  	[sflag:s25] =	ssyncset.done $0x0  }
0x5d: {  	[sflag:s25] =	ssyncadd.s32 $0xFFFF8000  }
0x5e: {  	[tilespmem:s18], [sflag:$0x3] =	stream.indirect.gather [hbm4b:s3+s26], $0x80, s2, s26, $0xb8;
	[tilespmem:$0x10200] =	vst v63  }
0x5f: {  	_ = 	snop  }
0x60: {  	[tilespmem:s19], [sflag:$0x3] =	stream.indirect.gather [hbm4b:s3+s26], $0x80, s26, s26, $0xb8;
	[tilespmem:$0x10200] =	vst v63  }
0x61: {  	_ =	swait.ge [sflag:s28], $0x4000  }
0x62: {  	[sflag:s28] =	ssyncset.done $0x0  }
0x63: {  	[sflag:s28] =	ssyncadd.s32 $0xFFFFC000  }
0x64: {  	_ =	swait.ge [sflag:s28], $0x4000  }
0x65: {  	s7 =	smov.u32 s31;
	s8 =	rddreg [dreg:$0x3]  }
0x66: {  	s9 =	sadd.s32 $0xFFFFFFC0, s7;
	s8 =	sadd.s32 s7, s8  }
0x67: {  	s9 =	sand.u32 $0x40, s9;
	s10 =	sadd.s32 $0xFFFFFFC0, s8  }
0x68: {  	s9 =	sadd.s32 s9, s4;
	s10 =	sand.u32 $0xFFFFF80, s10  }
0x69: {  	[sflag:s28] =	ssyncset.done $0x0;
	s9 =	sadd.s32 s10, s9  }
0x6a: {  	[sflag:s28] =	ssyncadd.s32 $0xFFFFC000;
	s9 =	sadd.s32 $0x20, s9  }
0x6b: {  	[tilespmem:s16], [sflag:$0x2] =	stream.linear.gather [hbm4b:s9+s2], $0x100, $0x38;
	[tilespmem:$0x10200] =	vst v63  }
0x6c: {  	_ = 	snop  }
0x6d: {  	[hbm4b:s1+s2] =	stream.linear.scatter [tilespmem:s21], [sflag:$0x6], $0x8000, $0x38;
	[tilespmem:$0x10200] =	vst v63  }
0x6e: {  	_ =	swait.ge [sflag:s20], $0x100  }
0x6f: {  	[sflag:s20] =	ssyncset.done $0x0  }
0x70: {  	[sflag:s20] =	ssyncadd.s32 $0xFFFFFF00  }
0x71: {  	_ =	swait.ge [sflag:s29], $0x8000  }
0x72: {  	[sflag:s29] =	ssyncset.done $0x0  }
0x73: {  	[sflag:s29] =	ssyncadd.s32 $0xFFFF8000  }
0x74: {  	[tilespmem:s21], [sflag:$0x4] =	stream.indirect.gather [hbm4b:s3+s26], $0x80, s16, s26, $0xb8;
	[tilespmem:$0x10200] =	vst v63  }
0x75: {  	_ = 	snop  }
0x76: {  	[tilespmem:s23], [sflag:$0x4] =	stream.indirect.gather [hbm4b:s3+s26], $0x80, s22, s26, $0xb8;
	[tilespmem:$0x10200] =	vst v63  }
0x77: {  	_ =	swait.ge [sflag:s24], $0x4000  }
0x78: {  	s14 =	smov.u32 s0;
	p0 =	sne.s32 s31, $0x31C0;
	[sflag:s24] =	ssyncset.done $0x0  }
.Ltmp0:
0x79: {  	s31 =	sadd.s32 $0x40, s31;
	[sflag:s24] =	ssyncadd.s32 $0xFFFFC000;
	(pc) =	sbr.rel @p0 .LBB2_2-.Ltmp0, $4  }
0x7a: {  	s0 =	sadd.s32 $0x2000, s0;
	s7 =	sand.u32 $0x40, s7;
	_ =	swait.ge [sflag:s24], $0x4000  }
0x7b: {  	s8 =	sand.u32 $0xFFFFF80, s8;
	s7 =	sadd.s32 s4, s7;
	[sflag:s24] =	ssyncset.done $0x0  }
0x7c: {  	s7 =	sadd.s32 s8, s7;
	s1 =	sadd.s32 $0x2000, s1;
	[sflag:s24] =	ssyncadd.s32 $0xFFFFC000  }
0x7d: {  	[tilespmem:s2], [sflag:$0x1] =	stream.linear.gather [hbm4b:s7+s2], $0x100, $0x38;
	[tilespmem:$0x10200] =	vst v63  }
0x7e: {  	[hbm4b:s14+s2] =	stream.linear.scatter [tilespmem:s18], [sflag:$0x5], $0x8000, $0x38;
	[tilespmem:$0x10200] =	vst v63  }
0x7f: {  	_ =	swait.ge [sflag:s17], $0x100  }
0x80: {  	[sflag:s17] =	ssyncset.done $0x0  }
0x81: {  	[sflag:s17] =	ssyncadd.s32 $0xFFFFFF00  }
0x82: {  	_ =	swait.ge [sflag:s25], $0x8000  }
0x83: {  	[sflag:s25] =	ssyncset.done $0x0  }
0x84: {  	[sflag:s25] =	ssyncadd.s32 $0xFFFF8000  }
0x85: {  	[tilespmem:s18], [sflag:$0x3] =	stream.indirect.gather [hbm4b:s3+s26], $0x80, s2, s26, $0xb8;
	[tilespmem:$0x10200] =	vst v63  }
0x86: {  	_ = 	snop  }
0x87: {  	[tilespmem:s19], [sflag:$0x3] =	stream.indirect.gather [hbm4b:s3+s26], $0x80, s26, s26, $0xb8;
	[tilespmem:$0x10200] =	vst v63  }
0x88: {  	_ =	swait.ge [sflag:s28], $0x4000  }
0x89: {  	[sflag:s28] =	ssyncset.done $0x0  }
0x8a: {  	[sflag:s28] =	ssyncadd.s32 $0xFFFFC000  }
0x8b: {  	_ =	swait.ge [sflag:s28], $0x4000  }
0x8c: {  	[sflag:s28] =	ssyncset.done $0x0  }
0x8d: {  	s0 =	rddreg [dreg:$0x7];
	[sflag:s28] =	ssyncadd.s32 $0xFFFFC000  }
0x8e: {  	[tilespmem:s16], [sflag:$0x2] =	stream.linear.gather [hbm4b:s0+s2], $0x100, $0x38;
	[tilespmem:$0x10200] =	vst v63  }
0x8f: {  	s31 =	rddreg [dreg:$0x8]  }
0x90: {  	[hbm4b:s31+s2] =	stream.linear.scatter [tilespmem:s21], [sflag:$0x6], $0x8000, $0x38;
	[tilespmem:$0x10200] =	vst v63  }
0x91: {  	_ =	swait.ge [sflag:s20], $0x100  }
0x92: {  	[sflag:s20] =	ssyncset.done $0x0  }
0x93: {  	[sflag:s20] =	ssyncadd.s32 $0xFFFFFF00  }
0x94: {  	_ =	swait.ge [sflag:s29], $0x8000  }
0x95: {  	[sflag:s29] =	ssyncset.done $0x0  }
0x96: {  	[sflag:s29] =	ssyncadd.s32 $0xFFFF8000  }
0x97: {  	[tilespmem:s21], [sflag:$0x4] =	stream.indirect.gather [hbm4b:s3+s26], $0x80, s16, s26, $0xb8;
	[tilespmem:$0x10200] =	vst v63  }
0x98: {  	_ = 	snop  }
0x99: {  	[tilespmem:s23], [sflag:$0x4] =	stream.indirect.gather [hbm4b:s3+s26], $0x80, s22, s26, $0xb8;
	[tilespmem:$0x10200] =	vst v63  }
0x9a: {  	_ =	swait.ge [sflag:s24], $0x4000  }
0x9b: {  	[sflag:s24] =	ssyncset.done $0x0  }
0x9c: {  	[sflag:s24] =	ssyncadd.s32 $0xFFFFC000  }
0x9d: {  	_ =	swait.ge [sflag:s24], $0x4000  }
0x9e: {  	[sflag:s24] =	ssyncset.done $0x0  }
0x9f: {  	[sflag:s24] =	ssyncadd.s32 $0xFFFFC000  }
0xa0: {  	[hbm4b:s11+s2] =	stream.linear.scatter [tilespmem:s18], [sflag:$0x5], $0x8000, $0x38;
	[tilespmem:$0x10200] =	vst v63  }
0xa1: {  	_ =	swait.ge [sflag:s28], $0x4000  }
0xa2: {  	[sflag:s28] =	ssyncset.done $0x0  }
0xa3: {  	[sflag:s28] =	ssyncadd.s32 $0xFFFFC000  }
0xa4: {  	_ =	swait.ge [sflag:s28], $0x4000  }
0xa5: {  	[sflag:s28] =	ssyncset.done $0x0  }
0xa6: {  	s30 =	sadd.s32 $0x1, s30;
	[sflag:s28] =	ssyncadd.s32 $0xFFFFC000  }
0xa7: {  	[hbm4b:s12+s2] =	stream.linear.scatter [tilespmem:s21], [sflag:$0x6], $0x8000, $0x38;
	[tilespmem:$0x10200] =	vst v63  }
0xa8: {  	p0 =	sne.s32 s30, s13;
	_ =	swait.ge [sflag:s25], $0x8000  }
.Ltmp1:
0xa9: {  	[sflag:s25] =	ssyncset.done $0x0;
	(pc) =	sbr.rel @p0 .LBB2_1-.Ltmp1, $4  }
0xaa: {  	[sflag:s25] =	ssyncadd.s32 $0xFFFF8000  }
0xab: {  	_ =	swait.ge [sflag:s29], $0x8000  }
0xac: {  	[sflag:s29] =	ssyncset.done $0x0  }
0xad: {  	[sflag:s29] =	ssyncadd.s32 $0xFFFF8000  }
0xae: {  	_ =	sfence.sel $0x180000  }
0xaf: {  	[bflag:$0x0] =	sbarrier.arrive $0xFFFF  }
0xb0: {  	_ =	strace $0x90000047  }
0xb1: {  	s0 =	stileid.u32;
	[bflag:$0x2] =	sbarrier.arrive $0xFFFF  }
0xb2: {  	p0 =	sne.s32 s0, $0x0;
	s0 =	rddreg [dreg:$0x2]  }
0xb3: {  	s0 =	sadd.s32 @!p0 $0x100000, s0  }
0xb4: {  	[sflag:s0] =	ssyncadd.tile.s32 @!p0 $0x1;
	_ =	shalt  }
.Lfunc_end2:
_tile_overlayer_lowered:
.L_overlay_start_2:
0xb5: {  	(tag) =	ssettag $0x2  }
0xb6: {  	s0 =	rddreg [dreg:$0x0];
	s2 =	stileid.u32  }
0xb7: {  	s1 =	rddreg [dreg:$0x1];
	p0 =	sne.s32 s2, $0x0  }
0xb8: {  	s3 =	rddreg [dreg:$0x2];
	[bflag:$0x3] =	sbarrier.arrive $0xFFFF;
	s2 =	simm.s32 @!p0 $0x1C07  }
0xb9: {  	[timem:s3], [sflag:s2] =	dma.local @!p0 [hbm:s0], s1  }
0xba: {  	s0 =	simm.s32 @!p0 $0x7  }
0xbb: {  	_ =	swait.ge @!p0 [sflag:s0], s1  }
0xbc: {  	s1 =	ssub.s32 @!p0 $0x0, s1;
	[sflag:s0] =	ssyncset.done @!p0 $0x0  }
0xbd: {  	[sflag:s0] =	ssyncadd.s32 @!p0 s1  }
0xbe: {  	[bflag:$0x3] =	sbarrier.arrive $0xFFFF  }
0xbf: {  	_ =	shalt  }

</sc_bundles>
